<compile_context>
chip_gen: v7x
topology: tpu7x:2x2x1
jax: 0.10.2.dev20260603
libtpu: 0.0.44.dev20260713+nightly
codegen_flags: <defaults>
</compile_context>

<pallas_src>
import dataclasses
import functools

import jax
import jax.numpy as jnp
from jax import lax
from jax.experimental import pallas as pl
from jax.experimental.pallas import tpu as pltpu
from jax.experimental.pallas import tpu_sc as plsc

NUM_CLASSES = 119
LANES = 16
NC, NS = 2, 16
NW = NC * NS
CHUNK = 256
NBUF = 2


def _onehot_sc(idx_flat: jax.Array) -> jax.Array:
    total = idx_flat.shape[0]
    rows_per_w = total // NW
    n_chunks = rows_per_w // CHUNK
    assert rows_per_w % CHUNK == 0 and n_chunks % NBUF == 0
    assert CHUNK % LANES == 0 and rows_per_w % 8 == 0

    zeros_tile = jnp.zeros((CHUNK, NUM_CLASSES), jnp.float32)
    mesh = plsc.VectorSubcoreMesh(core_axis_name="c", subcore_axis_name="s")
    cp = pltpu.CompilerParams()
    if "needs_layout_passes" in pltpu.CompilerParams.__dataclass_fields__:
        cp = dataclasses.replace(cp, needs_layout_passes=False)

    @functools.partial(
        pl.kernel,
        mesh=mesh,
        compiler_params=cp,
        out_type=jax.ShapeDtypeStruct((total, NUM_CLASSES), jnp.float32),
        scratch_types=[
            pltpu.VMEM((rows_per_w,), jnp.int32),
            pltpu.VMEM((NBUF, CHUNK, NUM_CLASSES), jnp.float32),
        ] + [pltpu.SemaphoreType.DMA] * NBUF,
    )
    def kern(idx_hbm, zeros_hbm, out_hbm, idx_v, bufs, *sems):
        wid = lax.axis_index("s") * NC + lax.axis_index("c")
        base = wid * rows_per_w

        for b in range(NBUF):
            pltpu.make_async_copy(zeros_hbm, bufs.at[b], sems[b]).start()
        pltpu.sync_copy(idx_hbm.at[pl.ds(wid * rows_per_w, rows_per_w)],
                        idx_v)
        for b in range(NBUF):
            pltpu.make_async_copy(zeros_hbm, bufs.at[b], sems[b]).wait()

        ones_v = jnp.ones((LANES,), jnp.float32)
        zeros_v = jnp.zeros((LANES,), jnp.float32)
        row_vecs = [lax.iota(jnp.int32, LANES) + g * LANES
                    for g in range(CHUNK // LANES)]

        def scatter_chunk(g, b, vals):
            for sub in range(CHUNK // LANES):
                cols = idx_v[pl.ds(g * CHUNK + sub * LANES, LANES)]
                plsc.store_scatter(bufs.at[b], [row_vecs[sub], cols], vals)

        def out_copy(g, b):
            return pltpu.make_async_copy(
                bufs.at[b],
                out_hbm.at[pl.ds(base + g * CHUNK, CHUNK)],
                sems[b])

        @pl.loop(0, n_chunks, step=NBUF)
        def _(g0):
            for b in range(NBUF):
                g = g0 + b

                @pl.when(g >= NBUF)
                def _():
                    out_copy(g - NBUF, b).wait()
                    scatter_chunk(g - NBUF, b, zeros_v)

                scatter_chunk(g, b, ones_v)
                out_copy(g, b).start()

        for b in range(NBUF):
            out_copy(n_chunks - NBUF + b, b).wait()

    return kern(idx_flat, zeros_tile)


def kernel(atomic_numbers):
    idx_flat = atomic_numbers.astype(jnp.int32).reshape(-1)
    n_rows, row_w = atomic_numbers.shape
    flat = _onehot_sc(idx_flat)
    return flat.reshape(n_rows, row_w, NUM_CLASSES)

# --- scband reference (transcript-rebuilt; emitter-appended) ---
"""Pipeline reference for scband-one-hot-8641474199799 (READ-ONLY COPY).

The authoritative reference and input builder live on the scoring server;
editing this copy changes nothing except your own understanding.
"""

import jax, jax.numpy as jnp
import numpy as np

MAX_ATOMIC_NUMBER = 118

def setup_inputs(seed: int = 0) -> dict:
    key = jax.random.key(seed)
    atomic_numbers = jax.random.randint(key, (4096, 128), 0, MAX_ATOMIC_NUMBER + 1, dtype=jnp.int64 if jax.config.jax_enable_x64 else jnp.int32)
    return {"atomic_numbers": atomic_numbers}

def reference(atomic_numbers) -> jnp.ndarray:
    # Faithful translation of K.one_hot(atomic_numbers, max_atomic_number + 1)
    # Implemented as a gather from an identity table (SparseCore-friendly embedding lookup).
    eye = jnp.eye(MAX_ATOMIC_NUMBER + 1, dtype=jnp.float32)
    return jnp.take(eye, atomic_numbers, axis=0)

if __name__ == "__main__":
    import jax
    _d = setup_inputs()
    print(jax.jit(kernel)(*tuple(_d.values())))

</pallas_src>

<mosaic_0001>
#map = affine_map<(d0, d1) -> (0)>
#map1 = affine_map<(d0, d1) -> (0, 0)>
module attributes {stable_mosaic.version = 14 : i64} {
  func.func @kern(%arg0: i32, %arg1: i32, %arg2: memref<524288xi32, #tpu.memory_space<hbm>>, %arg3: memref<256x119xf32, #tpu.memory_space<hbm>>, %arg4: memref<524288x119xf32, #tpu.memory_space<hbm>>, %arg5: memref<16384xi32, #tpu.memory_space<vmem>>, %arg6: memref<2x256x119xf32, #tpu.memory_space<vmem>>, %arg7: memref<!tpu.dma_semaphore, #tpu.memory_space<semaphore_mem>>, %arg8: memref<!tpu.dma_semaphore, #tpu.memory_space<semaphore_mem>>) attributes {dimension_semantics = [#tpu.dimension_semantics<core_parallel>, #tpu.dimension_semantics<subcore_parallel>], iteration_bounds = array<i64: 2, 16>, scalar_prefetch = 0 : i64, scratch_operands = 4 : i64, tpu.core_type = #tpu.core_type<sc_vector_subcore>, window_params = [{transform_indices = #map}, {transform_indices = #map1}, {transform_indices = #map1}]} {
    %mul3A = arith.constant 2 : i32
    %mul3A_0 = arith.muli %arg1, %mul3A : i32
    %add3A = arith.addi %mul3A_0, %arg0 : i32
    %mul3A_1 = arith.constant 16384 : i32
    %mul3A_2 = arith.muli %add3A, %mul3A_1 : i32
    %dma_start3A = arith.constant 0 : i32
    %dma_start3A_3 = arith.constant 0 : i32
    %dma_start3A_4 = arith.constant 0 : i32
    %dma_start3A_5 = tpu.memref_slice %arg6[%dma_start3A, %dma_start3A_3, %dma_start3A_4] : memref<2x256x119xf32, #tpu.memory_space<vmem>> -> memref<1x256x119xf32, #tpu.memory_space<vmem>>
    %dma_start3A_6 = tpu.memref_squeeze %dma_start3A_5 : memref<1x256x119xf32, #tpu.memory_space<vmem>> -> memref<256x119xf32, #tpu.memory_space<vmem>>
    %dma_start3A_7 = arith.constant 0 : i32
    %dma_start3A_8 = arith.constant 0 : i32
    %dma_start3A_9 = tpu.memref_slice %arg6[%dma_start3A, %dma_start3A_7, %dma_start3A_8] : memref<2x256x119xf32, #tpu.memory_space<vmem>> -> memref<1x256x119xf32, #tpu.memory_space<vmem>>
    %dma_start3A_10 = tpu.memref_squeeze %dma_start3A_9 : memref<1x256x119xf32, #tpu.memory_space<vmem>> -> memref<256x119xf32, #tpu.memory_space<vmem>>
    tpu.enqueue_dma source(%arg3 : memref<256x119xf32, #tpu.memory_space<hbm>>) target(%dma_start3A_10 : memref<256x119xf32, #tpu.memory_space<vmem>>) target_semaphore(%arg7 : memref<!tpu.dma_semaphore, #tpu.memory_space<semaphore_mem>>)
    %dma_start3A_11 = arith.constant 1 : i32
    %dma_start3A_12 = arith.constant 0 : i32
    %dma_start3A_13 = arith.constant 0 : i32
    %dma_start3A_14 = tpu.memref_slice %arg6[%dma_start3A_11, %dma_start3A_12, %dma_start3A_13] : memref<2x256x119xf32, #tpu.memory_space<vmem>> -> memref<1x256x119xf32, #tpu.memory_space<vmem>>
    %dma_start3A_15 = tpu.memref_squeeze %dma_start3A_14 : memref<1x256x119xf32, #tpu.memory_space<vmem>> -> memref<256x119xf32, #tpu.memory_space<vmem>>
    %dma_start3A_16 = arith.constant 0 : i32
    %dma_start3A_17 = arith.constant 0 : i32
    %dma_start3A_18 = tpu.memref_slice %arg6[%dma_start3A_11, %dma_start3A_16, %dma_start3A_17] : memref<2x256x119xf32, #tpu.memory_space<vmem>> -> memref<1x256x119xf32, #tpu.memory_space<vmem>>
    %dma_start3A_19 = tpu.memref_squeeze %dma_start3A_18 : memref<1x256x119xf32, #tpu.memory_space<vmem>> -> memref<256x119xf32, #tpu.memory_space<vmem>>
    tpu.enqueue_dma source(%arg3 : memref<256x119xf32, #tpu.memory_space<hbm>>) target(%dma_start3A_19 : memref<256x119xf32, #tpu.memory_space<vmem>>) target_semaphore(%arg8 : memref<!tpu.dma_semaphore, #tpu.memory_space<semaphore_mem>>)
    %mul3A_20 = arith.constant 16384 : i32
    %mul3A_21 = arith.muli %add3A, %mul3A_20 : i32
    "tpu.region"() ({
      %run_scoped3A = tpu.sem_alloc : memref<!tpu.dma_semaphore, #tpu.memory_space<semaphore_mem>>
      %dma_start3A_139 = tpu.memref_slice %arg2[%mul3A_21] : memref<524288xi32, #tpu.memory_space<hbm>> -> memref<16384xi32, #tpu.memory_space<hbm>>
      %dma_start3A_140 = tpu.memref_slice %arg2[%mul3A_21] : memref<524288xi32, #tpu.memory_space<hbm>> -> memref<16384xi32, #tpu.memory_space<hbm>>
      tpu.enqueue_dma source(%dma_start3A_140 : memref<16384xi32, #tpu.memory_space<hbm>>) target(%arg5 : memref<16384xi32, #tpu.memory_space<vmem>>) target_semaphore(%run_scoped3A : memref<!tpu.dma_semaphore, #tpu.memory_space<semaphore_mem>>)
      %dma_wait3A_141 = tpu.memref_slice %arg2[%mul3A_21] : memref<524288xi32, #tpu.memory_space<hbm>> -> memref<16384xi32, #tpu.memory_space<hbm>>
      %dma_wait3A_142 = tpu.memref_slice %arg2[%mul3A_21] : memref<524288xi32, #tpu.memory_space<hbm>> -> memref<16384xi32, #tpu.memory_space<hbm>>
      tpu.wait_dma2 semaphore(%run_scoped3A : memref<!tpu.dma_semaphore, #tpu.memory_space<semaphore_mem>>) src(%dma_wait3A_142 : memref<16384xi32, #tpu.memory_space<hbm>>) dst(%arg5 : memref<16384xi32, #tpu.memory_space<vmem>>)
      tpu.yield
    }) : () -> ()
    %dma_wait3A = arith.constant 0 : i32
    %dma_wait3A_22 = arith.constant 0 : i32
    %dma_wait3A_23 = arith.constant 0 : i32
    %dma_wait3A_24 = tpu.memref_slice %arg6[%dma_wait3A, %dma_wait3A_22, %dma_wait3A_23] : memref<2x256x119xf32, #tpu.memory_space<vmem>> -> memref<1x256x119xf32, #tpu.memory_space<vmem>>
    %dma_wait3A_25 = tpu.memref_squeeze %dma_wait3A_24 : memref<1x256x119xf32, #tpu.memory_space<vmem>> -> memref<256x119xf32, #tpu.memory_space<vmem>>
    %dma_wait3A_26 = arith.constant 0 : i32
    %dma_wait3A_27 = arith.constant 0 : i32
    %dma_wait3A_28 = tpu.memref_slice %arg6[%dma_wait3A, %dma_wait3A_26, %dma_wait3A_27] : memref<2x256x119xf32, #tpu.memory_space<vmem>> -> memref<1x256x119xf32, #tpu.memory_space<vmem>>
    %dma_wait3A_29 = tpu.memref_squeeze %dma_wait3A_28 : memref<1x256x119xf32, #tpu.memory_space<vmem>> -> memref<256x119xf32, #tpu.memory_space<vmem>>
    tpu.wait_dma2 semaphore(%arg7 : memref<!tpu.dma_semaphore, #tpu.memory_space<semaphore_mem>>) src(%arg3 : memref<256x119xf32, #tpu.memory_space<hbm>>) dst(%dma_wait3A_29 : memref<256x119xf32, #tpu.memory_space<vmem>>)
    %dma_wait3A_30 = arith.constant 1 : i32
    %dma_wait3A_31 = arith.constant 0 : i32
    %dma_wait3A_32 = arith.constant 0 : i32
    %dma_wait3A_33 = tpu.memref_slice %arg6[%dma_wait3A_30, %dma_wait3A_31, %dma_wait3A_32] : memref<2x256x119xf32, #tpu.memory_space<vmem>> -> memref<1x256x119xf32, #tpu.memory_space<vmem>>
    %dma_wait3A_34 = tpu.memref_squeeze %dma_wait3A_33 : memref<1x256x119xf32, #tpu.memory_space<vmem>> -> memref<256x119xf32, #tpu.memory_space<vmem>>
    %dma_wait3A_35 = arith.constant 0 : i32
    %dma_wait3A_36 = arith.constant 0 : i32
    %dma_wait3A_37 = tpu.memref_slice %arg6[%dma_wait3A_30, %dma_wait3A_35, %dma_wait3A_36] : memref<2x256x119xf32, #tpu.memory_space<vmem>> -> memref<1x256x119xf32, #tpu.memory_space<vmem>>
    %dma_wait3A_38 = tpu.memref_squeeze %dma_wait3A_37 : memref<1x256x119xf32, #tpu.memory_space<vmem>> -> memref<256x119xf32, #tpu.memory_space<vmem>>
    tpu.wait_dma2 semaphore(%arg8 : memref<!tpu.dma_semaphore, #tpu.memory_space<semaphore_mem>>) src(%arg3 : memref<256x119xf32, #tpu.memory_space<hbm>>) dst(%dma_wait3A_38 : memref<256x119xf32, #tpu.memory_space<vmem>>)
    %broadcast_in_dim3A = arith.constant 1.000000e+00 : f32
    %broadcast_in_dim3A_39 = vector.broadcast %broadcast_in_dim3A : f32 to vector<16xf32>
    %broadcast_in_dim3A_40 = arith.constant 0.000000e+00 : f32
    %broadcast_in_dim3A_41 = vector.broadcast %broadcast_in_dim3A_40 : f32 to vector<16xf32>
    %iota3A = tpu.iota {dimensions = array<i32: 0>} : vector<16xi32>
    %add3A_42 = arith.constant 0 : i32
    %add3A_43 = vector.broadcast %add3A_42 : i32 to vector<16xi32>
    %add3A_44 = arith.addi %iota3A, %add3A_43 : vector<16xi32>
    %iota3A_45 = tpu.iota {dimensions = array<i32: 0>} : vector<16xi32>
    %add3A_46 = arith.constant 16 : i32
    %add3A_47 = vector.broadcast %add3A_46 : i32 to vector<16xi32>
    %add3A_48 = arith.addi %iota3A_45, %add3A_47 : vector<16xi32>
    %iota3A_49 = tpu.iota {dimensions = array<i32: 0>} : vector<16xi32>
    %add3A_50 = arith.constant 32 : i32
    %add3A_51 = vector.broadcast %add3A_50 : i32 to vector<16xi32>
    %add3A_52 = arith.addi %iota3A_49, %add3A_51 : vector<16xi32>
    %iota3A_53 = tpu.iota {dimensions = array<i32: 0>} : vector<16xi32>
    %add3A_54 = arith.constant 48 : i32
    %add3A_55 = vector.broadcast %add3A_54 : i32 to vector<16xi32>
    %add3A_56 = arith.addi %iota3A_53, %add3A_55 : vector<16xi32>
    %iota3A_57 = tpu.iota {dimensions = array<i32: 0>} : vector<16xi32>
    %add3A_58 = arith.constant 64 : i32
    %add3A_59 = vector.broadcast %add3A_58 : i32 to vector<16xi32>
    %add3A_60 = arith.addi %iota3A_57, %add3A_59 : vector<16xi32>
    %iota3A_61 = tpu.iota {dimensions = array<i32: 0>} : vector<16xi32>
    %add3A_62 = arith.constant 80 : i32
    %add3A_63 = vector.broadcast %add3A_62 : i32 to vector<16xi32>
    %add3A_64 = arith.addi %iota3A_61, %add3A_63 : vector<16xi32>
    %iota3A_65 = tpu.iota {dimensions = array<i32: 0>} : vector<16xi32>
    %add3A_66 = arith.constant 96 : i32
    %add3A_67 = vector.broadcast %add3A_66 : i32 to vector<16xi32>
    %add3A_68 = arith.addi %iota3A_65, %add3A_67 : vector<16xi32>
    %iota3A_69 = tpu.iota {dimensions = array<i32: 0>} : vector<16xi32>
    %add3A_70 = arith.constant 112 : i32
    %add3A_71 = vector.broadcast %add3A_70 : i32 to vector<16xi32>
    %add3A_72 = arith.addi %iota3A_69, %add3A_71 : vector<16xi32>
    %iota3A_73 = tpu.iota {dimensions = array<i32: 0>} : vector<16xi32>
    %add3A_74 = arith.constant 128 : i32
    %add3A_75 = vector.broadcast %add3A_74 : i32 to vector<16xi32>
    %add3A_76 = arith.addi %iota3A_73, %add3A_75 : vector<16xi32>
    %iota3A_77 = tpu.iota {dimensions = array<i32: 0>} : vector<16xi32>
    %add3A_78 = arith.constant 144 : i32
    %add3A_79 = vector.broadcast %add3A_78 : i32 to vector<16xi32>
    %add3A_80 = arith.addi %iota3A_77, %add3A_79 : vector<16xi32>
    %iota3A_81 = tpu.iota {dimensions = array<i32: 0>} : vector<16xi32>
    %add3A_82 = arith.constant 160 : i32
    %add3A_83 = vector.broadcast %add3A_82 : i32 to vector<16xi32>
    %add3A_84 = arith.addi %iota3A_81, %add3A_83 : vector<16xi32>
    %iota3A_85 = tpu.iota {dimensions = array<i32: 0>} : vector<16xi32>
    %add3A_86 = arith.constant 176 : i32
    %add3A_87 = vector.broadcast %add3A_86 : i32 to vector<16xi32>
    %add3A_88 = arith.addi %iota3A_85, %add3A_87 : vector<16xi32>
    %iota3A_89 = tpu.iota {dimensions = array<i32: 0>} : vector<16xi32>
    %add3A_90 = arith.constant 192 : i32
    %add3A_91 = vector.broadcast %add3A_90 : i32 to vector<16xi32>
    %add3A_92 = arith.addi %iota3A_89, %add3A_91 : vector<16xi32>
    %iota3A_93 = tpu.iota {dimensions = array<i32: 0>} : vector<16xi32>
    %add3A_94 = arith.constant 208 : i32
    %add3A_95 = vector.broadcast %add3A_94 : i32 to vector<16xi32>
    %add3A_96 = arith.addi %iota3A_93, %add3A_95 : vector<16xi32>
    %iota3A_97 = tpu.iota {dimensions = array<i32: 0>} : vector<16xi32>
    %add3A_98 = arith.constant 224 : i32
    %add3A_99 = vector.broadcast %add3A_98 : i32 to vector<16xi32>
    %add3A_100 = arith.addi %iota3A_97, %add3A_99 : vector<16xi32>
    %iota3A_101 = tpu.iota {dimensions = array<i32: 0>} : vector<16xi32>
    %add3A_102 = arith.constant 240 : i32
    %add3A_103 = vector.broadcast %add3A_102 : i32 to vector<16xi32>
    %add3A_104 = arith.addi %iota3A_101, %add3A_103 : vector<16xi32>
    %scan3A = arith.constant 0 : i32
    %scan3A_105 = arith.constant 32 : i32
    %scan3A_106 = arith.addi %scan3A, %scan3A_105 : i32
    %scan3A_107 = arith.constant 1 : i32
    scf.for %scan3A_139 = %scan3A to %scan3A_106 step %scan3A_107  : i32 {
      %mul3A_140 = arith.constant 2 : i32
      %mul3A_141 = arith.muli %scan3A_139, %mul3A_140 : i32
      %add3A_142 = arith.constant 0 : i32
      %add3A_143 = arith.addi %add3A_142, %mul3A_141 : i32
      %add3A_144 = arith.constant 0 : i32
      %add3A_145 = arith.addi %add3A_143, %add3A_144 : i32
      %ge3A = arith.constant 2 : i32
      %ge3A_146 = arith.cmpi sge, %add3A_145, %ge3A : i32
      %convert_element_type3A = arith.extui %ge3A_146 : i1 to i32
      %cond3A = arith.constant 0 : i32
      %cond3A_147 = arith.cmpi ne, %convert_element_type3A, %cond3A : i32
      scf.if %cond3A_147 {
        %sub3A = arith.constant 2 : i32
        %sub3A_537 = arith.subi %add3A_145, %sub3A : i32
        %mul3A_538 = arith.constant 256 : i32
        %mul3A_539 = arith.muli %sub3A_537, %mul3A_538 : i32
        %add3A_540 = arith.addi %mul3A_2, %mul3A_539 : i32
        %dma_wait3A_541 = arith.constant 0 : i32
        %dma_wait3A_542 = arith.constant 0 : i32
        %dma_wait3A_543 = arith.constant 0 : i32
        %dma_wait3A_544 = tpu.memref_slice %arg6[%dma_wait3A_541, %dma_wait3A_542, %dma_wait3A_543] : memref<2x256x119xf32, #tpu.memory_space<vmem>> -> memref<1x256x119xf32, #tpu.memory_space<vmem>>
        %dma_wait3A_545 = tpu.memref_squeeze %dma_wait3A_544 : memref<1x256x119xf32, #tpu.memory_space<vmem>> -> memref<256x119xf32, #tpu.memory_space<vmem>>
        %dma_wait3A_546 = arith.constant 0 : i32
        %dma_wait3A_547 = tpu.memref_slice %arg4[%add3A_540, %dma_wait3A_546] : memref<524288x119xf32, #tpu.memory_space<hbm>> -> memref<256x119xf32, #tpu.memory_space<hbm>>
        %dma_wait3A_548 = arith.constant 0 : i32
        %dma_wait3A_549 = tpu.memref_slice %arg4[%add3A_540, %dma_wait3A_548] : memref<524288x119xf32, #tpu.memory_space<hbm>> -> memref<256x119xf32, #tpu.memory_space<hbm>>
        %dma_wait3A_550 = arith.constant 0 : i32
        %dma_wait3A_551 = arith.constant 0 : i32
        %dma_wait3A_552 = tpu.memref_slice %arg6[%dma_wait3A_541, %dma_wait3A_550, %dma_wait3A_551] : memref<2x256x119xf32, #tpu.memory_space<vmem>> -> memref<1x256x119xf32, #tpu.memory_space<vmem>>
        %dma_wait3A_553 = tpu.memref_squeeze %dma_wait3A_552 : memref<1x256x119xf32, #tpu.memory_space<vmem>> -> memref<256x119xf32, #tpu.memory_space<vmem>>
        tpu.wait_dma2 semaphore(%arg7 : memref<!tpu.dma_semaphore, #tpu.memory_space<semaphore_mem>>) src(%dma_wait3A_553 : memref<256x119xf32, #tpu.memory_space<vmem>>) dst(%dma_wait3A_549 : memref<256x119xf32, #tpu.memory_space<hbm>>)
        %sub3A_554 = arith.constant 2 : i32
        %sub3A_555 = arith.subi %add3A_145, %sub3A_554 : i32
        %mul3A_556 = arith.constant 256 : i32
        %mul3A_557 = arith.muli %sub3A_555, %mul3A_556 : i32
        %add3A_558 = arith.constant 0 : i32
        %add3A_559 = arith.addi %mul3A_557, %add3A_558 : i32
        %get3A_560 = arith.index_cast %add3A_559 : i32 to index
        %get3A_561 = tpu.vector_load %arg5[%get3A_560] {strides = array<i32>} : memref<16384xi32, #tpu.memory_space<vmem>>, vector<16xi32>,
        %scatter3A_562 = arith.constant 0 : i32
        %scatter3A_563 = arith.constant 0 : i32
        %scatter3A_564 = arith.constant 0 : i32
        %scatter3A_565 = tpu.memref_slice %arg6[%scatter3A_562, %scatter3A_563, %scatter3A_564] : memref<2x256x119xf32, #tpu.memory_space<vmem>> -> memref<1x256x119xf32, #tpu.memory_space<vmem>>
        %scatter3A_566 = tpu.memref_squeeze %scatter3A_565 : memref<1x256x119xf32, #tpu.memory_space<vmem>> -> memref<256x119xf32, #tpu.memory_space<vmem>>
        tpu.vector_store_idx %scatter3A_566[%add3A_44, %get3A_561], %broadcast_in_dim3A_41 : memref<256x119xf32, #tpu.memory_space<vmem>>[vector<16xi32>, vector<16xi32>], vector<16xf32>,
        %mul3A_567 = arith.constant 256 : i32
        %mul3A_568 = arith.muli %sub3A_555, %mul3A_567 : i32
        %add3A_569 = arith.constant 16 : i32
        %add3A_570 = arith.addi %mul3A_568, %add3A_569 : i32
        %get3A_571 = arith.index_cast %add3A_570 : i32 to index
        %get3A_572 = tpu.vector_load %arg5[%get3A_571] {strides = array<i32>} : memref<16384xi32, #tpu.memory_space<vmem>>, vector<16xi32>,
        %scatter3A_573 = arith.constant 0 : i32
        %scatter3A_574 = arith.constant 0 : i32
        %scatter3A_575 = arith.constant 0 : i32
        %scatter3A_576 = tpu.memref_slice %arg6[%scatter3A_573, %scatter3A_574, %scatter3A_575] : memref<2x256x119xf32, #tpu.memory_space<vmem>> -> memref<1x256x119xf32, #tpu.memory_space<vmem>>
        %scatter3A_577 = tpu.memref_squeeze %scatter3A_576 : memref<1x256x119xf32, #tpu.memory_space<vmem>> -> memref<256x119xf32, #tpu.memory_space<vmem>>
        tpu.vector_store_idx %scatter3A_577[%add3A_48, %get3A_572], %broadcast_in_dim3A_41 : memref<256x119xf32, #tpu.memory_space<vmem>>[vector<16xi32>, vector<16xi32>], vector<16xf32>,
        %mul3A_578 = arith.constant 256 : i32
        %mul3A_579 = arith.muli %sub3A_555, %mul3A_578 : i32
        %add3A_580 = arith.constant 32 : i32
        %add3A_581 = arith.addi %mul3A_579, %add3A_580 : i32
        %get3A_582 = arith.index_cast %add3A_581 : i32 to index
        %get3A_583 = tpu.vector_load %arg5[%get3A_582] {strides = array<i32>} : memref<16384xi32, #tpu.memory_space<vmem>>, vector<16xi32>,
        %scatter3A_584 = arith.constant 0 : i32
        %scatter3A_585 = arith.constant 0 : i32
        %scatter3A_586 = arith.constant 0 : i32
        %scatter3A_587 = tpu.memref_slice %arg6[%scatter3A_584, %scatter3A_585, %scatter3A_586] : memref<2x256x119xf32, #tpu.memory_space<vmem>> -> memref<1x256x119xf32, #tpu.memory_space<vmem>>
        %scatter3A_588 = tpu.memref_squeeze %scatter3A_587 : memref<1x256x119xf32, #tpu.memory_space<vmem>> -> memref<256x119xf32, #tpu.memory_space<vmem>>
        tpu.vector_store_idx %scatter3A_588[%add3A_52, %get3A_583], %broadcast_in_dim3A_41 : memref<256x119xf32, #tpu.memory_space<vmem>>[vector<16xi32>, vector<16xi32>], vector<16xf32>,
        %mul3A_589 = arith.constant 256 : i32
        %mul3A_590 = arith.muli %sub3A_555, %mul3A_589 : i32
        %add3A_591 = arith.constant 48 : i32
        %add3A_592 = arith.addi %mul3A_590, %add3A_591 : i32
        %get3A_593 = arith.index_cast %add3A_592 : i32 to index
        %get3A_594 = tpu.vector_load %arg5[%get3A_593] {strides = array<i32>} : memref<16384xi32, #tpu.memory_space<vmem>>, vector<16xi32>,
        %scatter3A_595 = arith.constant 0 : i32
        %scatter3A_596 = arith.constant 0 : i32
        %scatter3A_597 = arith.constant 0 : i32
        %scatter3A_598 = tpu.memref_slice %arg6[%scatter3A_595, %scatter3A_596, %scatter3A_597] : memref<2x256x119xf32, #tpu.memory_space<vmem>> -> memref<1x256x119xf32, #tpu.memory_space<vmem>>
        %scatter3A_599 = tpu.memref_squeeze %scatter3A_598 : memref<1x256x119xf32, #tpu.memory_space<vmem>> -> memref<256x119xf32, #tpu.memory_space<vmem>>
        tpu.vector_store_idx %scatter3A_599[%add3A_56, %get3A_594], %broadcast_in_dim3A_41 : memref<256x119xf32, #tpu.memory_space<vmem>>[vector<16xi32>, vector<16xi32>], vector<16xf32>,
        %mul3A_600 = arith.constant 256 : i32
        %mul3A_601 = arith.muli %sub3A_555, %mul3A_600 : i32
        %add3A_602 = arith.constant 64 : i32
        %add3A_603 = arith.addi %mul3A_601, %add3A_602 : i32
        %get3A_604 = arith.index_cast %add3A_603 : i32 to index
        %get3A_605 = tpu.vector_load %arg5[%get3A_604] {strides = array<i32>} : memref<16384xi32, #tpu.memory_space<vmem>>, vector<16xi32>,
        %scatter3A_606 = arith.constant 0 : i32
        %scatter3A_607 = arith.constant 0 : i32
        %scatter3A_608 = arith.constant 0 : i32
        %scatter3A_609 = tpu.memref_slice %arg6[%scatter3A_606, %scatter3A_607, %scatter3A_608] : memref<2x256x119xf32, #tpu.memory_space<vmem>> -> memref<1x256x119xf32, #tpu.memory_space<vmem>>
        %scatter3A_610 = tpu.memref_squeeze %scatter3A_609 : memref<1x256x119xf32, #tpu.memory_space<vmem>> -> memref<256x119xf32, #tpu.memory_space<vmem>>
        tpu.vector_store_idx %scatter3A_610[%add3A_60, %get3A_605], %broadcast_in_dim3A_41 : memref<256x119xf32, #tpu.memory_space<vmem>>[vector<16xi32>, vector<16xi32>], vector<16xf32>,
        %mul3A_611 = arith.constant 256 : i32
        %mul3A_612 = arith.muli %sub3A_555, %mul3A_611 : i32
        %add3A_613 = arith.constant 80 : i32
        %add3A_614 = arith.addi %mul3A_612, %add3A_613 : i32
        %get3A_615 = arith.index_cast %add3A_614 : i32 to index
        %get3A_616 = tpu.vector_load %arg5[%get3A_615] {strides = array<i32>} : memref<16384xi32, #tpu.memory_space<vmem>>, vector<16xi32>,
        %scatter3A_617 = arith.constant 0 : i32
        %scatter3A_618 = arith.constant 0 : i32
        %scatter3A_619 = arith.constant 0 : i32
        %scatter3A_620 = tpu.memref_slice %arg6[%scatter3A_617, %scatter3A_618, %scatter3A_619] : memref<2x256x119xf32, #tpu.memory_space<vmem>> -> memref<1x256x119xf32, #tpu.memory_space<vmem>>
        %scatter3A_621 = tpu.memref_squeeze %scatter3A_620 : memref<1x256x119xf32, #tpu.memory_space<vmem>> -> memref<256x119xf32, #tpu.memory_space<vmem>>
        tpu.vector_store_idx %scatter3A_621[%add3A_64, %get3A_616], %broadcast_in_dim3A_41 : memref<256x119xf32, #tpu.memory_space<vmem>>[vector<16xi32>, vector<16xi32>], vector<16xf32>,
        %mul3A_622 = arith.constant 256 : i32
        %mul3A_623 = arith.muli %sub3A_555, %mul3A_622 : i32
        %add3A_624 = arith.constant 96 : i32
        %add3A_625 = arith.addi %mul3A_623, %add3A_624 : i32
        %get3A_626 = arith.index_cast %add3A_625 : i32 to index
        %get3A_627 = tpu.vector_load %arg5[%get3A_626] {strides = array<i32>} : memref<16384xi32, #tpu.memory_space<vmem>>, vector<16xi32>,
        %scatter3A_628 = arith.constant 0 : i32
        %scatter3A_629 = arith.constant 0 : i32
        %scatter3A_630 = arith.constant 0 : i32
        %scatter3A_631 = tpu.memref_slice %arg6[%scatter3A_628, %scatter3A_629, %scatter3A_630] : memref<2x256x119xf32, #tpu.memory_space<vmem>> -> memref<1x256x119xf32, #tpu.memory_space<vmem>>
        %scatter3A_632 = tpu.memref_squeeze %scatter3A_631 : memref<1x256x119xf32, #tpu.memory_space<vmem>> -> memref<256x119xf32, #tpu.memory_space<vmem>>
        tpu.vector_store_idx %scatter3A_632[%add3A_68, %get3A_627], %broadcast_in_dim3A_41 : memref<256x119xf32, #tpu.memory_space<vmem>>[vector<16xi32>, vector<16xi32>], vector<16xf32>,
        %mul3A_633 = arith.constant 256 : i32
        %mul3A_634 = arith.muli %sub3A_555, %mul3A_633 : i32
        %add3A_635 = arith.constant 112 : i32
        %add3A_636 = arith.addi %mul3A_634, %add3A_635 : i32
        %get3A_637 = arith.index_cast %add3A_636 : i32 to index
        %get3A_638 = tpu.vector_load %arg5[%get3A_637] {strides = array<i32>} : memref<16384xi32, #tpu.memory_space<vmem>>, vector<16xi32>,
        %scatter3A_639 = arith.constant 0 : i32
        %scatter3A_640 = arith.constant 0 : i32
        %scatter3A_641 = arith.constant 0 : i32
        %scatter3A_642 = tpu.memref_slice %arg6[%scatter3A_639, %scatter3A_640, %scatter3A_641] : memref<2x256x119xf32, #tpu.memory_space<vmem>> -> memref<1x256x119xf32, #tpu.memory_space<vmem>>
        %scatter3A_643 = tpu.memref_squeeze %scatter3A_642 : memref<1x256x119xf32, #tpu.memory_space<vmem>> -> memref<256x119xf32, #tpu.memory_space<vmem>>
        tpu.vector_store_idx %scatter3A_643[%add3A_72, %get3A_638], %broadcast_in_dim3A_41 : memref<256x119xf32, #tpu.memory_space<vmem>>[vector<16xi32>, vector<16xi32>], vector<16xf32>,
        %mul3A_644 = arith.constant 256 : i32
        %mul3A_645 = arith.muli %sub3A_555, %mul3A_644 : i32
        %add3A_646 = arith.constant 128 : i32
        %add3A_647 = arith.addi %mul3A_645, %add3A_646 : i32
        %get3A_648 = arith.index_cast %add3A_647 : i32 to index
        %get3A_649 = tpu.vector_load %arg5[%get3A_648] {strides = array<i32>} : memref<16384xi32, #tpu.memory_space<vmem>>, vector<16xi32>,
        %scatter3A_650 = arith.constant 0 : i32
        %scatter3A_651 = arith.constant 0 : i32
        %scatter3A_652 = arith.constant 0 : i32
        %scatter3A_653 = tpu.memref_slice %arg6[%scatter3A_650, %scatter3A_651, %scatter3A_652] : memref<2x256x119xf32, #tpu.memory_space<vmem>> -> memref<1x256x119xf32, #tpu.memory_space<vmem>>
        %scatter3A_654 = tpu.memref_squeeze %scatter3A_653 : memref<1x256x119xf32, #tpu.memory_space<vmem>> -> memref<256x119xf32, #tpu.memory_space<vmem>>
        tpu.vector_store_idx %scatter3A_654[%add3A_76, %get3A_649], %broadcast_in_dim3A_41 : memref<256x119xf32, #tpu.memory_space<vmem>>[vector<16xi32>, vector<16xi32>], vector<16xf32>,
        %mul3A_655 = arith.constant 256 : i32
        %mul3A_656 = arith.muli %sub3A_555, %mul3A_655 : i32
        %add3A_657 = arith.constant 144 : i32
        %add3A_658 = arith.addi %mul3A_656, %add3A_657 : i32
        %get3A_659 = arith.index_cast %add3A_658 : i32 to index
        %get3A_660 = tpu.vector_load %arg5[%get3A_659] {strides = array<i32>} : memref<16384xi32, #tpu.memory_space<vmem>>, vector<16xi32>,
        %scatter3A_661 = arith.constant 0 : i32
        %scatter3A_662 = arith.constant 0 : i32
        %scatter3A_663 = arith.constant 0 : i32
        %scatter3A_664 = tpu.memref_slice %arg6[%scatter3A_661, %scatter3A_662, %scatter3A_663] : memref<2x256x119xf32, #tpu.memory_space<vmem>> -> memref<1x256x119xf32, #tpu.memory_space<vmem>>
        %scatter3A_665 = tpu.memref_squeeze %scatter3A_664 : memref<1x256x119xf32, #tpu.memory_space<vmem>> -> memref<256x119xf32, #tpu.memory_space<vmem>>
        tpu.vector_store_idx %scatter3A_665[%add3A_80, %get3A_660], %broadcast_in_dim3A_41 : memref<256x119xf32, #tpu.memory_space<vmem>>[vector<16xi32>, vector<16xi32>], vector<16xf32>,
        %mul3A_666 = arith.constant 256 : i32
        %mul3A_667 = arith.muli %sub3A_555, %mul3A_666 : i32
        %add3A_668 = arith.constant 160 : i32
        %add3A_669 = arith.addi %mul3A_667, %add3A_668 : i32
        %get3A_670 = arith.index_cast %add3A_669 : i32 to index
        %get3A_671 = tpu.vector_load %arg5[%get3A_670] {strides = array<i32>} : memref<16384xi32, #tpu.memory_space<vmem>>, vector<16xi32>,
        %scatter3A_672 = arith.constant 0 : i32
        %scatter3A_673 = arith.constant 0 : i32
        %scatter3A_674 = arith.constant 0 : i32
        %scatter3A_675 = tpu.memref_slice %arg6[%scatter3A_672, %scatter3A_673, %scatter3A_674] : memref<2x256x119xf32, #tpu.memory_space<vmem>> -> memref<1x256x119xf32, #tpu.memory_space<vmem>>
        %scatter3A_676 = tpu.memref_squeeze %scatter3A_675 : memref<1x256x119xf32, #tpu.memory_space<vmem>> -> memref<256x119xf32, #tpu.memory_space<vmem>>
        tpu.vector_store_idx %scatter3A_676[%add3A_84, %get3A_671], %broadcast_in_dim3A_41 : memref<256x119xf32, #tpu.memory_space<vmem>>[vector<16xi32>, vector<16xi32>], vector<16xf32>,
        %mul3A_677 = arith.constant 256 : i32
        %mul3A_678 = arith.muli %sub3A_555, %mul3A_677 : i32
        %add3A_679 = arith.constant 176 : i32
        %add3A_680 = arith.addi %mul3A_678, %add3A_679 : i32
        %get3A_681 = arith.index_cast %add3A_680 : i32 to index
        %get3A_682 = tpu.vector_load %arg5[%get3A_681] {strides = array<i32>} : memref<16384xi32, #tpu.memory_space<vmem>>, vector<16xi32>,
        %scatter3A_683 = arith.constant 0 : i32
        %scatter3A_684 = arith.constant 0 : i32
        %scatter3A_685 = arith.constant 0 : i32
        %scatter3A_686 = tpu.memref_slice %arg6[%scatter3A_683, %scatter3A_684, %scatter3A_685] : memref<2x256x119xf32, #tpu.memory_space<vmem>> -> memref<1x256x119xf32, #tpu.memory_space<vmem>>
        %scatter3A_687 = tpu.memref_squeeze %scatter3A_686 : memref<1x256x119xf32, #tpu.memory_space<vmem>> -> memref<256x119xf32, #tpu.memory_space<vmem>>
        tpu.vector_store_idx %scatter3A_687[%add3A_88, %get3A_682], %broadcast_in_dim3A_41 : memref<256x119xf32, #tpu.memory_space<vmem>>[vector<16xi32>, vector<16xi32>], vector<16xf32>,
        %mul3A_688 = arith.constant 256 : i32
        %mul3A_689 = arith.muli %sub3A_555, %mul3A_688 : i32
        %add3A_690 = arith.constant 192 : i32
        %add3A_691 = arith.addi %mul3A_689, %add3A_690 : i32
        %get3A_692 = arith.index_cast %add3A_691 : i32 to index
        %get3A_693 = tpu.vector_load %arg5[%get3A_692] {strides = array<i32>} : memref<16384xi32, #tpu.memory_space<vmem>>, vector<16xi32>,
        %scatter3A_694 = arith.constant 0 : i32
        %scatter3A_695 = arith.constant 0 : i32
        %scatter3A_696 = arith.constant 0 : i32
        %scatter3A_697 = tpu.memref_slice %arg6[%scatter3A_694, %scatter3A_695, %scatter3A_696] : memref<2x256x119xf32, #tpu.memory_space<vmem>> -> memref<1x256x119xf32, #tpu.memory_space<vmem>>
        %scatter3A_698 = tpu.memref_squeeze %scatter3A_697 : memref<1x256x119xf32, #tpu.memory_space<vmem>> -> memref<256x119xf32, #tpu.memory_space<vmem>>
        tpu.vector_store_idx %scatter3A_698[%add3A_92, %get3A_693], %broadcast_in_dim3A_41 : memref<256x119xf32, #tpu.memory_space<vmem>>[vector<16xi32>, vector<16xi32>], vector<16xf32>,
        %mul3A_699 = arith.constant 256 : i32
        %mul3A_700 = arith.muli %sub3A_555, %mul3A_699 : i32
        %add3A_701 = arith.constant 208 : i32
        %add3A_702 = arith.addi %mul3A_700, %add3A_701 : i32
        %get3A_703 = arith.index_cast %add3A_702 : i32 to index
        %get3A_704 = tpu.vector_load %arg5[%get3A_703] {strides = array<i32>} : memref<16384xi32, #tpu.memory_space<vmem>>, vector<16xi32>,
        %scatter3A_705 = arith.constant 0 : i32
        %scatter3A_706 = arith.constant 0 : i32
        %scatter3A_707 = arith.constant 0 : i32
        %scatter3A_708 = tpu.memref_slice %arg6[%scatter3A_705, %scatter3A_706, %scatter3A_707] : memref<2x256x119xf32, #tpu.memory_space<vmem>> -> memref<1x256x119xf32, #tpu.memory_space<vmem>>
        %scatter3A_709 = tpu.memref_squeeze %scatter3A_708 : memref<1x256x119xf32, #tpu.memory_space<vmem>> -> memref<256x119xf32, #tpu.memory_space<vmem>>
        tpu.vector_store_idx %scatter3A_709[%add3A_96, %get3A_704], %broadcast_in_dim3A_41 : memref<256x119xf32, #tpu.memory_space<vmem>>[vector<16xi32>, vector<16xi32>], vector<16xf32>,
        %mul3A_710 = arith.constant 256 : i32
        %mul3A_711 = arith.muli %sub3A_555, %mul3A_710 : i32
        %add3A_712 = arith.constant 224 : i32
        %add3A_713 = arith.addi %mul3A_711, %add3A_712 : i32
        %get3A_714 = arith.index_cast %add3A_713 : i32 to index
        %get3A_715 = tpu.vector_load %arg5[%get3A_714] {strides = array<i32>} : memref<16384xi32, #tpu.memory_space<vmem>>, vector<16xi32>,
        %scatter3A_716 = arith.constant 0 : i32
        %scatter3A_717 = arith.constant 0 : i32
        %scatter3A_718 = arith.constant 0 : i32
        %scatter3A_719 = tpu.memref_slice %arg6[%scatter3A_716, %scatter3A_717, %scatter3A_718] : memref<2x256x119xf32, #tpu.memory_space<vmem>> -> memref<1x256x119xf32, #tpu.memory_space<vmem>>
        %scatter3A_720 = tpu.memref_squeeze %scatter3A_719 : memref<1x256x119xf32, #tpu.memory_space<vmem>> -> memref<256x119xf32, #tpu.memory_space<vmem>>
        tpu.vector_store_idx %scatter3A_720[%add3A_100, %get3A_715], %broadcast_in_dim3A_41 : memref<256x119xf32, #tpu.memory_space<vmem>>[vector<16xi32>, vector<16xi32>], vector<16xf32>,
        %mul3A_721 = arith.constant 256 : i32
        %mul3A_722 = arith.muli %sub3A_555, %mul3A_721 : i32
        %add3A_723 = arith.constant 240 : i32
        %add3A_724 = arith.addi %mul3A_722, %add3A_723 : i32
        %get3A_725 = arith.index_cast %add3A_724 : i32 to index
        %get3A_726 = tpu.vector_load %arg5[%get3A_725] {strides = array<i32>} : memref<16384xi32, #tpu.memory_space<vmem>>, vector<16xi32>,
        %scatter3A_727 = arith.constant 0 : i32
        %scatter3A_728 = arith.constant 0 : i32
        %scatter3A_729 = arith.constant 0 : i32
        %scatter3A_730 = tpu.memref_slice %arg6[%scatter3A_727, %scatter3A_728, %scatter3A_729] : memref<2x256x119xf32, #tpu.memory_space<vmem>> -> memref<1x256x119xf32, #tpu.memory_space<vmem>>
        %scatter3A_731 = tpu.memref_squeeze %scatter3A_730 : memref<1x256x119xf32, #tpu.memory_space<vmem>> -> memref<256x119xf32, #tpu.memory_space<vmem>>
        tpu.vector_store_idx %scatter3A_731[%add3A_104, %get3A_726], %broadcast_in_dim3A_41 : memref<256x119xf32, #tpu.memory_space<vmem>>[vector<16xi32>, vector<16xi32>], vector<16xf32>,
      } else {
      }
      %mul3A_148 = arith.constant 256 : i32
      %mul3A_149 = arith.muli %add3A_145, %mul3A_148 : i32
      %add3A_150 = arith.constant 0 : i32
      %add3A_151 = arith.addi %mul3A_149, %add3A_150 : i32
      %get3A = arith.index_cast %add3A_151 : i32 to index
      %get3A_152 = tpu.vector_load %arg5[%get3A] {strides = array<i32>} : memref<16384xi32, #tpu.memory_space<vmem>>, vector<16xi32>,
      %scatter3A = arith.constant 0 : i32
      %scatter3A_153 = arith.constant 0 : i32
      %scatter3A_154 = arith.constant 0 : i32
      %scatter3A_155 = tpu.memref_slice %arg6[%scatter3A, %scatter3A_153, %scatter3A_154] : memref<2x256x119xf32, #tpu.memory_space<vmem>> -> memref<1x256x119xf32, #tpu.memory_space<vmem>>
      %scatter3A_156 = tpu.memref_squeeze %scatter3A_155 : memref<1x256x119xf32, #tpu.memory_space<vmem>> -> memref<256x119xf32, #tpu.memory_space<vmem>>
      tpu.vector_store_idx %scatter3A_156[%add3A_44, %get3A_152], %broadcast_in_dim3A_39 : memref<256x119xf32, #tpu.memory_space<vmem>>[vector<16xi32>, vector<16xi32>], vector<16xf32>,
      %mul3A_157 = arith.constant 256 : i32
      %mul3A_158 = arith.muli %add3A_145, %mul3A_157 : i32
      %add3A_159 = arith.constant 16 : i32
      %add3A_160 = arith.addi %mul3A_158, %add3A_159 : i32
      %get3A_161 = arith.index_cast %add3A_160 : i32 to index
      %get3A_162 = tpu.vector_load %arg5[%get3A_161] {strides = array<i32>} : memref<16384xi32, #tpu.memory_space<vmem>>, vector<16xi32>,
      %scatter3A_163 = arith.constant 0 : i32
      %scatter3A_164 = arith.constant 0 : i32
      %scatter3A_165 = arith.constant 0 : i32
      %scatter3A_166 = tpu.memref_slice %arg6[%scatter3A_163, %scatter3A_164, %scatter3A_165] : memref<2x256x119xf32, #tpu.memory_space<vmem>> -> memref<1x256x119xf32, #tpu.memory_space<vmem>>
      %scatter3A_167 = tpu.memref_squeeze %scatter3A_166 : memref<1x256x119xf32, #tpu.memory_space<vmem>> -> memref<256x119xf32, #tpu.memory_space<vmem>>
      tpu.vector_store_idx %scatter3A_167[%add3A_48, %get3A_162], %broadcast_in_dim3A_39 : memref<256x119xf32, #tpu.memory_space<vmem>>[vector<16xi32>, vector<16xi32>], vector<16xf32>,
      %mul3A_168 = arith.constant 256 : i32
      %mul3A_169 = arith.muli %add3A_145, %mul3A_168 : i32
      %add3A_170 = arith.constant 32 : i32
      %add3A_171 = arith.addi %mul3A_169, %add3A_170 : i32
      %get3A_172 = arith.index_cast %add3A_171 : i32 to index
      %get3A_173 = tpu.vector_load %arg5[%get3A_172] {strides = array<i32>} : memref<16384xi32, #tpu.memory_space<vmem>>, vector<16xi32>,
      %scatter3A_174 = arith.constant 0 : i32
      %scatter3A_175 = arith.constant 0 : i32
      %scatter3A_176 = arith.constant 0 : i32
      %scatter3A_177 = tpu.memref_slice %arg6[%scatter3A_174, %scatter3A_175, %scatter3A_176] : memref<2x256x119xf32, #tpu.memory_space<vmem>> -> memref<1x256x119xf32, #tpu.memory_space<vmem>>
      %scatter3A_178 = tpu.memref_squeeze %scatter3A_177 : memref<1x256x119xf32, #tpu.memory_space<vmem>> -> memref<256x119xf32, #tpu.memory_space<vmem>>
      tpu.vector_store_idx %scatter3A_178[%add3A_52, %get3A_173], %broadcast_in_dim3A_39 : memref<256x119xf32, #tpu.memory_space<vmem>>[vector<16xi32>, vector<16xi32>], vector<16xf32>,
      %mul3A_179 = arith.constant 256 : i32
      %mul3A_180 = arith.muli %add3A_145, %mul3A_179 : i32
      %add3A_181 = arith.constant 48 : i32
      %add3A_182 = arith.addi %mul3A_180, %add3A_181 : i32
      %get3A_183 = arith.index_cast %add3A_182 : i32 to index
      %get3A_184 = tpu.vector_load %arg5[%get3A_183] {strides = array<i32>} : memref<16384xi32, #tpu.memory_space<vmem>>, vector<16xi32>,
      %scatter3A_185 = arith.constant 0 : i32
      %scatter3A_186 = arith.constant 0 : i32
      %scatter3A_187 = arith.constant 0 : i32
      %scatter3A_188 = tpu.memref_slice %arg6[%scatter3A_185, %scatter3A_186, %scatter3A_187] : memref<2x256x119xf32, #tpu.memory_space<vmem>> -> memref<1x256x119xf32, #tpu.memory_space<vmem>>
      %scatter3A_189 = tpu.memref_squeeze %scatter3A_188 : memref<1x256x119xf32, #tpu.memory_space<vmem>> -> memref<256x119xf32, #tpu.memory_space<vmem>>
      tpu.vector_store_idx %scatter3A_189[%add3A_56, %get3A_184], %broadcast_in_dim3A_39 : memref<256x119xf32, #tpu.memory_space<vmem>>[vector<16xi32>, vector<16xi32>], vector<16xf32>,
      %mul3A_190 = arith.constant 256 : i32
      %mul3A_191 = arith.muli %add3A_145, %mul3A_190 : i32
      %add3A_192 = arith.constant 64 : i32
      %add3A_193 = arith.addi %mul3A_191, %add3A_192 : i32
      %get3A_194 = arith.index_cast %add3A_193 : i32 to index
      %get3A_195 = tpu.vector_load %arg5[%get3A_194] {strides = array<i32>} : memref<16384xi32, #tpu.memory_space<vmem>>, vector<16xi32>,
      %scatter3A_196 = arith.constant 0 : i32
      %scatter3A_197 = arith.constant 0 : i32
      %scatter3A_198 = arith.constant 0 : i32
      %scatter3A_199 = tpu.memref_slice %arg6[%scatter3A_196, %scatter3A_197, %scatter3A_198] : memref<2x256x119xf32, #tpu.memory_space<vmem>> -> memref<1x256x119xf32, #tpu.memory_space<vmem>>
      %scatter3A_200 = tpu.memref_squeeze %scatter3A_199 : memref<1x256x119xf32, #tpu.memory_space<vmem>> -> memref<256x119xf32, #tpu.memory_space<vmem>>
      tpu.vector_store_idx %scatter3A_200[%add3A_60, %get3A_195], %broadcast_in_dim3A_39 : memref<256x119xf32, #tpu.memory_space<vmem>>[vector<16xi32>, vector<16xi32>], vector<16xf32>,
      %mul3A_201 = arith.constant 256 : i32
      %mul3A_202 = arith.muli %add3A_145, %mul3A_201 : i32
      %add3A_203 = arith.constant 80 : i32
      %add3A_204 = arith.addi %mul3A_202, %add3A_203 : i32
      %get3A_205 = arith.index_cast %add3A_204 : i32 to index
      %get3A_206 = tpu.vector_load %arg5[%get3A_205] {strides = array<i32>} : memref<16384xi32, #tpu.memory_space<vmem>>, vector<16xi32>,
      %scatter3A_207 = arith.constant 0 : i32
      %scatter3A_208 = arith.constant 0 : i32
      %scatter3A_209 = arith.constant 0 : i32
      %scatter3A_210 = tpu.memref_slice %arg6[%scatter3A_207, %scatter3A_208, %scatter3A_209] : memref<2x256x119xf32, #tpu.memory_space<vmem>> -> memref<1x256x119xf32, #tpu.memory_space<vmem>>
      %scatter3A_211 = tpu.memref_squeeze %scatter3A_210 : memref<1x256x119xf32, #tpu.memory_space<vmem>> -> memref<256x119xf32, #tpu.memory_space<vmem>>
      tpu.vector_store_idx %scatter3A_211[%add3A_64, %get3A_206], %broadcast_in_dim3A_39 : memref<256x119xf32, #tpu.memory_space<vmem>>[vector<16xi32>, vector<16xi32>], vector<16xf32>,
      %mul3A_212 = arith.constant 256 : i32
      %mul3A_213 = arith.muli %add3A_145, %mul3A_212 : i32
      %add3A_214 = arith.constant 96 : i32
      %add3A_215 = arith.addi %mul3A_213, %add3A_214 : i32
      %get3A_216 = arith.index_cast %add3A_215 : i32 to index
      %get3A_217 = tpu.vector_load %arg5[%get3A_216] {strides = array<i32>} : memref<16384xi32, #tpu.memory_space<vmem>>, vector<16xi32>,
      %scatter3A_218 = arith.constant 0 : i32
      %scatter3A_219 = arith.constant 0 : i32
      %scatter3A_220 = arith.constant 0 : i32
      %scatter3A_221 = tpu.memref_slice %arg6[%scatter3A_218, %scatter3A_219, %scatter3A_220] : memref<2x256x119xf32, #tpu.memory_space<vmem>> -> memref<1x256x119xf32, #tpu.memory_space<vmem>>
      %scatter3A_222 = tpu.memref_squeeze %scatter3A_221 : memref<1x256x119xf32, #tpu.memory_space<vmem>> -> memref<256x119xf32, #tpu.memory_space<vmem>>
      tpu.vector_store_idx %scatter3A_222[%add3A_68, %get3A_217], %broadcast_in_dim3A_39 : memref<256x119xf32, #tpu.memory_space<vmem>>[vector<16xi32>, vector<16xi32>], vector<16xf32>,
      %mul3A_223 = arith.constant 256 : i32
      %mul3A_224 = arith.muli %add3A_145, %mul3A_223 : i32
      %add3A_225 = arith.constant 112 : i32
      %add3A_226 = arith.addi %mul3A_224, %add3A_225 : i32
      %get3A_227 = arith.index_cast %add3A_226 : i32 to index
      %get3A_228 = tpu.vector_load %arg5[%get3A_227] {strides = array<i32>} : memref<16384xi32, #tpu.memory_space<vmem>>, vector<16xi32>,
      %scatter3A_229 = arith.constant 0 : i32
      %scatter3A_230 = arith.constant 0 : i32
      %scatter3A_231 = arith.constant 0 : i32
      %scatter3A_232 = tpu.memref_slice %arg6[%scatter3A_229, %scatter3A_230, %scatter3A_231] : memref<2x256x119xf32, #tpu.memory_space<vmem>> -> memref<1x256x119xf32, #tpu.memory_space<vmem>>
      %scatter3A_233 = tpu.memref_squeeze %scatter3A_232 : memref<1x256x119xf32, #tpu.memory_space<vmem>> -> memref<256x119xf32, #tpu.memory_space<vmem>>
      tpu.vector_store_idx %scatter3A_233[%add3A_72, %get3A_228], %broadcast_in_dim3A_39 : memref<256x119xf32, #tpu.memory_space<vmem>>[vector<16xi32>, vector<16xi32>], vector<16xf32>,
      %mul3A_234 = arith.constant 256 : i32
      %mul3A_235 = arith.muli %add3A_145, %mul3A_234 : i32
      %add3A_236 = arith.constant 128 : i32
      %add3A_237 = arith.addi %mul3A_235, %add3A_236 : i32
      %get3A_238 = arith.index_cast %add3A_237 : i32 to index
      %get3A_239 = tpu.vector_load %arg5[%get3A_238] {strides = array<i32>} : memref<16384xi32, #tpu.memory_space<vmem>>, vector<16xi32>,
      %scatter3A_240 = arith.constant 0 : i32
      %scatter3A_241 = arith.constant 0 : i32
      %scatter3A_242 = arith.constant 0 : i32
      %scatter3A_243 = tpu.memref_slice %arg6[%scatter3A_240, %scatter3A_241, %scatter3A_242] : memref<2x256x119xf32, #tpu.memory_space<vmem>> -> memref<1x256x119xf32, #tpu.memory_space<vmem>>
      %scatter3A_244 = tpu.memref_squeeze %scatter3A_243 : memref<1x256x119xf32, #tpu.memory_space<vmem>> -> memref<256x119xf32, #tpu.memory_space<vmem>>
      tpu.vector_store_idx %scatter3A_244[%add3A_76, %get3A_239], %broadcast_in_dim3A_39 : memref<256x119xf32, #tpu.memory_space<vmem>>[vector<16xi32>, vector<16xi32>], vector<16xf32>,
      %mul3A_245 = arith.constant 256 : i32
      %mul3A_246 = arith.muli %add3A_145, %mul3A_245 : i32
      %add3A_247 = arith.constant 144 : i32
      %add3A_248 = arith.addi %mul3A_246, %add3A_247 : i32
      %get3A_249 = arith.index_cast %add3A_248 : i32 to index
      %get3A_250 = tpu.vector_load %arg5[%get3A_249] {strides = array<i32>} : memref<16384xi32, #tpu.memory_space<vmem>>, vector<16xi32>,
      %scatter3A_251 = arith.constant 0 : i32
      %scatter3A_252 = arith.constant 0 : i32
      %scatter3A_253 = arith.constant 0 : i32
      %scatter3A_254 = tpu.memref_slice %arg6[%scatter3A_251, %scatter3A_252, %scatter3A_253] : memref<2x256x119xf32, #tpu.memory_space<vmem>> -> memref<1x256x119xf32, #tpu.memory_space<vmem>>
      %scatter3A_255 = tpu.memref_squeeze %scatter3A_254 : memref<1x256x119xf32, #tpu.memory_space<vmem>> -> memref<256x119xf32, #tpu.memory_space<vmem>>
      tpu.vector_store_idx %scatter3A_255[%add3A_80, %get3A_250], %broadcast_in_dim3A_39 : memref<256x119xf32, #tpu.memory_space<vmem>>[vector<16xi32>, vector<16xi32>], vector<16xf32>,
      %mul3A_256 = arith.constant 256 : i32
      %mul3A_257 = arith.muli %add3A_145, %mul3A_256 : i32
      %add3A_258 = arith.constant 160 : i32
      %add3A_259 = arith.addi %mul3A_257, %add3A_258 : i32
      %get3A_260 = arith.index_cast %add3A_259 : i32 to index
      %get3A_261 = tpu.vector_load %arg5[%get3A_260] {strides = array<i32>} : memref<16384xi32, #tpu.memory_space<vmem>>, vector<16xi32>,
      %scatter3A_262 = arith.constant 0 : i32
      %scatter3A_263 = arith.constant 0 : i32
      %scatter3A_264 = arith.constant 0 : i32
      %scatter3A_265 = tpu.memref_slice %arg6[%scatter3A_262, %scatter3A_263, %scatter3A_264] : memref<2x256x119xf32, #tpu.memory_space<vmem>> -> memref<1x256x119xf32, #tpu.memory_space<vmem>>
      %scatter3A_266 = tpu.memref_squeeze %scatter3A_265 : memref<1x256x119xf32, #tpu.memory_space<vmem>> -> memref<256x119xf32, #tpu.memory_space<vmem>>
      tpu.vector_store_idx %scatter3A_266[%add3A_84, %get3A_261], %broadcast_in_dim3A_39 : memref<256x119xf32, #tpu.memory_space<vmem>>[vector<16xi32>, vector<16xi32>], vector<16xf32>,
      %mul3A_267 = arith.constant 256 : i32
      %mul3A_268 = arith.muli %add3A_145, %mul3A_267 : i32
      %add3A_269 = arith.constant 176 : i32
      %add3A_270 = arith.addi %mul3A_268, %add3A_269 : i32
      %get3A_271 = arith.index_cast %add3A_270 : i32 to index
      %get3A_272 = tpu.vector_load %arg5[%get3A_271] {strides = array<i32>} : memref<16384xi32, #tpu.memory_space<vmem>>, vector<16xi32>,
      %scatter3A_273 = arith.constant 0 : i32
      %scatter3A_274 = arith.constant 0 : i32
      %scatter3A_275 = arith.constant 0 : i32
      %scatter3A_276 = tpu.memref_slice %arg6[%scatter3A_273, %scatter3A_274, %scatter3A_275] : memref<2x256x119xf32, #tpu.memory_space<vmem>> -> memref<1x256x119xf32, #tpu.memory_space<vmem>>
      %scatter3A_277 = tpu.memref_squeeze %scatter3A_276 : memref<1x256x119xf32, #tpu.memory_space<vmem>> -> memref<256x119xf32, #tpu.memory_space<vmem>>
      tpu.vector_store_idx %scatter3A_277[%add3A_88, %get3A_272], %broadcast_in_dim3A_39 : memref<256x119xf32, #tpu.memory_space<vmem>>[vector<16xi32>, vector<16xi32>], vector<16xf32>,
      %mul3A_278 = arith.constant 256 : i32
      %mul3A_279 = arith.muli %add3A_145, %mul3A_278 : i32
      %add3A_280 = arith.constant 192 : i32
      %add3A_281 = arith.addi %mul3A_279, %add3A_280 : i32
      %get3A_282 = arith.index_cast %add3A_281 : i32 to index
      %get3A_283 = tpu.vector_load %arg5[%get3A_282] {strides = array<i32>} : memref<16384xi32, #tpu.memory_space<vmem>>, vector<16xi32>,
      %scatter3A_284 = arith.constant 0 : i32
      %scatter3A_285 = arith.constant 0 : i32
      %scatter3A_286 = arith.constant 0 : i32
      %scatter3A_287 = tpu.memref_slice %arg6[%scatter3A_284, %scatter3A_285, %scatter3A_286] : memref<2x256x119xf32, #tpu.memory_space<vmem>> -> memref<1x256x119xf32, #tpu.memory_space<vmem>>
      %scatter3A_288 = tpu.memref_squeeze %scatter3A_287 : memref<1x256x119xf32, #tpu.memory_space<vmem>> -> memref<256x119xf32, #tpu.memory_space<vmem>>
      tpu.vector_store_idx %scatter3A_288[%add3A_92, %get3A_283], %broadcast_in_dim3A_39 : memref<256x119xf32, #tpu.memory_space<vmem>>[vector<16xi32>, vector<16xi32>], vector<16xf32>,
      %mul3A_289 = arith.constant 256 : i32
      %mul3A_290 = arith.muli %add3A_145, %mul3A_289 : i32
      %add3A_291 = arith.constant 208 : i32
      %add3A_292 = arith.addi %mul3A_290, %add3A_291 : i32
      %get3A_293 = arith.index_cast %add3A_292 : i32 to index
      %get3A_294 = tpu.vector_load %arg5[%get3A_293] {strides = array<i32>} : memref<16384xi32, #tpu.memory_space<vmem>>, vector<16xi32>,
      %scatter3A_295 = arith.constant 0 : i32
      %scatter3A_296 = arith.constant 0 : i32
      %scatter3A_297 = arith.constant 0 : i32
      %scatter3A_298 = tpu.memref_slice %arg6[%scatter3A_295, %scatter3A_296, %scatter3A_297] : memref<2x256x119xf32, #tpu.memory_space<vmem>> -> memref<1x256x119xf32, #tpu.memory_space<vmem>>
      %scatter3A_299 = tpu.memref_squeeze %scatter3A_298 : memref<1x256x119xf32, #tpu.memory_space<vmem>> -> memref<256x119xf32, #tpu.memory_space<vmem>>
      tpu.vector_store_idx %scatter3A_299[%add3A_96, %get3A_294], %broadcast_in_dim3A_39 : memref<256x119xf32, #tpu.memory_space<vmem>>[vector<16xi32>, vector<16xi32>], vector<16xf32>,
      %mul3A_300 = arith.constant 256 : i32
      %mul3A_301 = arith.muli %add3A_145, %mul3A_300 : i32
      %add3A_302 = arith.constant 224 : i32
      %add3A_303 = arith.addi %mul3A_301, %add3A_302 : i32
      %get3A_304 = arith.index_cast %add3A_303 : i32 to index
      %get3A_305 = tpu.vector_load %arg5[%get3A_304] {strides = array<i32>} : memref<16384xi32, #tpu.memory_space<vmem>>, vector<16xi32>,
      %scatter3A_306 = arith.constant 0 : i32
      %scatter3A_307 = arith.constant 0 : i32
      %scatter3A_308 = arith.constant 0 : i32
      %scatter3A_309 = tpu.memref_slice %arg6[%scatter3A_306, %scatter3A_307, %scatter3A_308] : memref<2x256x119xf32, #tpu.memory_space<vmem>> -> memref<1x256x119xf32, #tpu.memory_space<vmem>>
      %scatter3A_310 = tpu.memref_squeeze %scatter3A_309 : memref<1x256x119xf32, #tpu.memory_space<vmem>> -> memref<256x119xf32, #tpu.memory_space<vmem>>
      tpu.vector_store_idx %scatter3A_310[%add3A_100, %get3A_305], %broadcast_in_dim3A_39 : memref<256x119xf32, #tpu.memory_space<vmem>>[vector<16xi32>, vector<16xi32>], vector<16xf32>,
      %mul3A_311 = arith.constant 256 : i32
      %mul3A_312 = arith.muli %add3A_145, %mul3A_311 : i32
      %add3A_313 = arith.constant 240 : i32
      %add3A_314 = arith.addi %mul3A_312, %add3A_313 : i32
      %get3A_315 = arith.index_cast %add3A_314 : i32 to index
      %get3A_316 = tpu.vector_load %arg5[%get3A_315] {strides = array<i32>} : memref<16384xi32, #tpu.memory_space<vmem>>, vector<16xi32>,
      %scatter3A_317 = arith.constant 0 : i32
      %scatter3A_318 = arith.constant 0 : i32
      %scatter3A_319 = arith.constant 0 : i32
      %scatter3A_320 = tpu.memref_slice %arg6[%scatter3A_317, %scatter3A_318, %scatter3A_319] : memref<2x256x119xf32, #tpu.memory_space<vmem>> -> memref<1x256x119xf32, #tpu.memory_space<vmem>>
      %scatter3A_321 = tpu.memref_squeeze %scatter3A_320 : memref<1x256x119xf32, #tpu.memory_space<vmem>> -> memref<256x119xf32, #tpu.memory_space<vmem>>
      tpu.vector_store_idx %scatter3A_321[%add3A_104, %get3A_316], %broadcast_in_dim3A_39 : memref<256x119xf32, #tpu.memory_space<vmem>>[vector<16xi32>, vector<16xi32>], vector<16xf32>,
      %mul3A_322 = arith.constant 256 : i32
      %mul3A_323 = arith.muli %add3A_145, %mul3A_322 : i32
      %add3A_324 = arith.addi %mul3A_2, %mul3A_323 : i32
      %dma_start3A_325 = arith.constant 0 : i32
      %dma_start3A_326 = arith.constant 0 : i32
      %dma_start3A_327 = arith.constant 0 : i32
      %dma_start3A_328 = tpu.memref_slice %arg6[%dma_start3A_325, %dma_start3A_326, %dma_start3A_327] : memref<2x256x119xf32, #tpu.memory_space<vmem>> -> memref<1x256x119xf32, #tpu.memory_space<vmem>>
      %dma_start3A_329 = tpu.memref_squeeze %dma_start3A_328 : memref<1x256x119xf32, #tpu.memory_space<vmem>> -> memref<256x119xf32, #tpu.memory_space<vmem>>
      %dma_start3A_330 = arith.constant 0 : i32
      %dma_start3A_331 = tpu.memref_slice %arg4[%add3A_324, %dma_start3A_330] : memref<524288x119xf32, #tpu.memory_space<hbm>> -> memref<256x119xf32, #tpu.memory_space<hbm>>
      %dma_start3A_332 = arith.constant 0 : i32
      %dma_start3A_333 = tpu.memref_slice %arg4[%add3A_324, %dma_start3A_332] : memref<524288x119xf32, #tpu.memory_space<hbm>> -> memref<256x119xf32, #tpu.memory_space<hbm>>
      %dma_start3A_334 = arith.constant 0 : i32
      %dma_start3A_335 = arith.constant 0 : i32
      %dma_start3A_336 = tpu.memref_slice %arg6[%dma_start3A_325, %dma_start3A_334, %dma_start3A_335] : memref<2x256x119xf32, #tpu.memory_space<vmem>> -> memref<1x256x119xf32, #tpu.memory_space<vmem>>
      %dma_start3A_337 = tpu.memref_squeeze %dma_start3A_336 : memref<1x256x119xf32, #tpu.memory_space<vmem>> -> memref<256x119xf32, #tpu.memory_space<vmem>>
      tpu.enqueue_dma source(%dma_start3A_337 : memref<256x119xf32, #tpu.memory_space<vmem>>) target(%dma_start3A_333 : memref<256x119xf32, #tpu.memory_space<hbm>>) target_semaphore(%arg7 : memref<!tpu.dma_semaphore, #tpu.memory_space<semaphore_mem>>)
      %add3A_338 = arith.constant 1 : i32
      %add3A_339 = arith.addi %add3A_143, %add3A_338 : i32
      %ge3A_340 = arith.constant 2 : i32
      %ge3A_341 = arith.cmpi sge, %add3A_339, %ge3A_340 : i32
      %convert_element_type3A_342 = arith.extui %ge3A_341 : i1 to i32
      %cond3A_343 = arith.constant 0 : i32
      %cond3A_344 = arith.cmpi ne, %convert_element_type3A_342, %cond3A_343 : i32
      scf.if %cond3A_344 {
        %sub3A = arith.constant 2 : i32
        %sub3A_537 = arith.subi %add3A_339, %sub3A : i32
        %mul3A_538 = arith.constant 256 : i32
        %mul3A_539 = arith.muli %sub3A_537, %mul3A_538 : i32
        %add3A_540 = arith.addi %mul3A_2, %mul3A_539 : i32
        %dma_wait3A_541 = arith.constant 1 : i32
        %dma_wait3A_542 = arith.constant 0 : i32
        %dma_wait3A_543 = arith.constant 0 : i32
        %dma_wait3A_544 = tpu.memref_slice %arg6[%dma_wait3A_541, %dma_wait3A_542, %dma_wait3A_543] : memref<2x256x119xf32, #tpu.memory_space<vmem>> -> memref<1x256x119xf32, #tpu.memory_space<vmem>>
        %dma_wait3A_545 = tpu.memref_squeeze %dma_wait3A_544 : memref<1x256x119xf32, #tpu.memory_space<vmem>> -> memref<256x119xf32, #tpu.memory_space<vmem>>
        %dma_wait3A_546 = arith.constant 0 : i32
        %dma_wait3A_547 = tpu.memref_slice %arg4[%add3A_540, %dma_wait3A_546] : memref<524288x119xf32, #tpu.memory_space<hbm>> -> memref<256x119xf32, #tpu.memory_space<hbm>>
        %dma_wait3A_548 = arith.constant 0 : i32
        %dma_wait3A_549 = tpu.memref_slice %arg4[%add3A_540, %dma_wait3A_548] : memref<524288x119xf32, #tpu.memory_space<hbm>> -> memref<256x119xf32, #tpu.memory_space<hbm>>
        %dma_wait3A_550 = arith.constant 0 : i32
        %dma_wait3A_551 = arith.constant 0 : i32
        %dma_wait3A_552 = tpu.memref_slice %arg6[%dma_wait3A_541, %dma_wait3A_550, %dma_wait3A_551] : memref<2x256x119xf32, #tpu.memory_space<vmem>> -> memref<1x256x119xf32, #tpu.memory_space<vmem>>
        %dma_wait3A_553 = tpu.memref_squeeze %dma_wait3A_552 : memref<1x256x119xf32, #tpu.memory_space<vmem>> -> memref<256x119xf32, #tpu.memory_space<vmem>>
        tpu.wait_dma2 semaphore(%arg8 : memref<!tpu.dma_semaphore, #tpu.memory_space<semaphore_mem>>) src(%dma_wait3A_553 : memref<256x119xf32, #tpu.memory_space<vmem>>) dst(%dma_wait3A_549 : memref<256x119xf32, #tpu.memory_space<hbm>>)
        %sub3A_554 = arith.constant 2 : i32
        %sub3A_555 = arith.subi %add3A_339, %sub3A_554 : i32
        %mul3A_556 = arith.constant 256 : i32
        %mul3A_557 = arith.muli %sub3A_555, %mul3A_556 : i32
        %add3A_558 = arith.constant 0 : i32
        %add3A_559 = arith.addi %mul3A_557, %add3A_558 : i32
        %get3A_560 = arith.index_cast %add3A_559 : i32 to index
        %get3A_561 = tpu.vector_load %arg5[%get3A_560] {strides = array<i32>} : memref<16384xi32, #tpu.memory_space<vmem>>, vector<16xi32>,
        %scatter3A_562 = arith.constant 1 : i32
        %scatter3A_563 = arith.constant 0 : i32
        %scatter3A_564 = arith.constant 0 : i32
        %scatter3A_565 = tpu.memref_slice %arg6[%scatter3A_562, %scatter3A_563, %scatter3A_564] : memref<2x256x119xf32, #tpu.memory_space<vmem>> -> memref<1x256x119xf32, #tpu.memory_space<vmem>>
        %scatter3A_566 = tpu.memref_squeeze %scatter3A_565 : memref<1x256x119xf32, #tpu.memory_space<vmem>> -> memref<256x119xf32, #tpu.memory_space<vmem>>
        tpu.vector_store_idx %scatter3A_566[%add3A_44, %get3A_561], %broadcast_in_dim3A_41 : memref<256x119xf32, #tpu.memory_space<vmem>>[vector<16xi32>, vector<16xi32>], vector<16xf32>,
        %mul3A_567 = arith.constant 256 : i32
        %mul3A_568 = arith.muli %sub3A_555, %mul3A_567 : i32
        %add3A_569 = arith.constant 16 : i32
        %add3A_570 = arith.addi %mul3A_568, %add3A_569 : i32
        %get3A_571 = arith.index_cast %add3A_570 : i32 to index
        %get3A_572 = tpu.vector_load %arg5[%get3A_571] {strides = array<i32>} : memref<16384xi32, #tpu.memory_space<vmem>>, vector<16xi32>,
        %scatter3A_573 = arith.constant 1 : i32
        %scatter3A_574 = arith.constant 0 : i32
        %scatter3A_575 = arith.constant 0 : i32
        %scatter3A_576 = tpu.memref_slice %arg6[%scatter3A_573, %scatter3A_574, %scatter3A_575] : memref<2x256x119xf32, #tpu.memory_space<vmem>> -> memref<1x256x119xf32, #tpu.memory_space<vmem>>
        %scatter3A_577 = tpu.memref_squeeze %scatter3A_576 : memref<1x256x119xf32, #tpu.memory_space<vmem>> -> memref<256x119xf32, #tpu.memory_space<vmem>>
        tpu.vector_store_idx %scatter3A_577[%add3A_48, %get3A_572], %broadcast_in_dim3A_41 : memref<256x119xf32, #tpu.memory_space<vmem>>[vector<16xi32>, vector<16xi32>], vector<16xf32>,
        %mul3A_578 = arith.constant 256 : i32
        %mul3A_579 = arith.muli %sub3A_555, %mul3A_578 : i32
        %add3A_580 = arith.constant 32 : i32
        %add3A_581 = arith.addi %mul3A_579, %add3A_580 : i32
        %get3A_582 = arith.index_cast %add3A_581 : i32 to index
        %get3A_583 = tpu.vector_load %arg5[%get3A_582] {strides = array<i32>} : memref<16384xi32, #tpu.memory_space<vmem>>, vector<16xi32>,
        %scatter3A_584 = arith.constant 1 : i32
        %scatter3A_585 = arith.constant 0 : i32
        %scatter3A_586 = arith.constant 0 : i32
        %scatter3A_587 = tpu.memref_slice %arg6[%scatter3A_584, %scatter3A_585, %scatter3A_586] : memref<2x256x119xf32, #tpu.memory_space<vmem>> -> memref<1x256x119xf32, #tpu.memory_space<vmem>>
        %scatter3A_588 = tpu.memref_squeeze %scatter3A_587 : memref<1x256x119xf32, #tpu.memory_space<vmem>> -> memref<256x119xf32, #tpu.memory_space<vmem>>
        tpu.vector_store_idx %scatter3A_588[%add3A_52, %get3A_583], %broadcast_in_dim3A_41 : memref<256x119xf32, #tpu.memory_space<vmem>>[vector<16xi32>, vector<16xi32>], vector<16xf32>,
        %mul3A_589 = arith.constant 256 : i32
        %mul3A_590 = arith.muli %sub3A_555, %mul3A_589 : i32
        %add3A_591 = arith.constant 48 : i32
        %add3A_592 = arith.addi %mul3A_590, %add3A_591 : i32
        %get3A_593 = arith.index_cast %add3A_592 : i32 to index
        %get3A_594 = tpu.vector_load %arg5[%get3A_593] {strides = array<i32>} : memref<16384xi32, #tpu.memory_space<vmem>>, vector<16xi32>,
        %scatter3A_595 = arith.constant 1 : i32
        %scatter3A_596 = arith.constant 0 : i32
        %scatter3A_597 = arith.constant 0 : i32
        %scatter3A_598 = tpu.memref_slice %arg6[%scatter3A_595, %scatter3A_596, %scatter3A_597] : memref<2x256x119xf32, #tpu.memory_space<vmem>> -> memref<1x256x119xf32, #tpu.memory_space<vmem>>
        %scatter3A_599 = tpu.memref_squeeze %scatter3A_598 : memref<1x256x119xf32, #tpu.memory_space<vmem>> -> memref<256x119xf32, #tpu.memory_space<vmem>>
        tpu.vector_store_idx %scatter3A_599[%add3A_56, %get3A_594], %broadcast_in_dim3A_41 : memref<256x119xf32, #tpu.memory_space<vmem>>[vector<16xi32>, vector<16xi32>], vector<16xf32>,
        %mul3A_600 = arith.constant 256 : i32
        %mul3A_601 = arith.muli %sub3A_555, %mul3A_600 : i32
        %add3A_602 = arith.constant 64 : i32
        %add3A_603 = arith.addi %mul3A_601, %add3A_602 : i32
        %get3A_604 = arith.index_cast %add3A_603 : i32 to index
        %get3A_605 = tpu.vector_load %arg5[%get3A_604] {strides = array<i32>} : memref<16384xi32, #tpu.memory_space<vmem>>, vector<16xi32>,
        %scatter3A_606 = arith.constant 1 : i32
        %scatter3A_607 = arith.constant 0 : i32
        %scatter3A_608 = arith.constant 0 : i32
        %scatter3A_609 = tpu.memref_slice %arg6[%scatter3A_606, %scatter3A_607, %scatter3A_608] : memref<2x256x119xf32, #tpu.memory_space<vmem>> -> memref<1x256x119xf32, #tpu.memory_space<vmem>>
        %scatter3A_610 = tpu.memref_squeeze %scatter3A_609 : memref<1x256x119xf32, #tpu.memory_space<vmem>> -> memref<256x119xf32, #tpu.memory_space<vmem>>
        tpu.vector_store_idx %scatter3A_610[%add3A_60, %get3A_605], %broadcast_in_dim3A_41 : memref<256x119xf32, #tpu.memory_space<vmem>>[vector<16xi32>, vector<16xi32>], vector<16xf32>,
        %mul3A_611 = arith.constant 256 : i32
        %mul3A_612 = arith.muli %sub3A_555, %mul3A_611 : i32
        %add3A_613 = arith.constant 80 : i32
        %add3A_614 = arith.addi %mul3A_612, %add3A_613 : i32
        %get3A_615 = arith.index_cast %add3A_614 : i32 to index
        %get3A_616 = tpu.vector_load %arg5[%get3A_615] {strides = array<i32>} : memref<16384xi32, #tpu.memory_space<vmem>>, vector<16xi32>,
        %scatter3A_617 = arith.constant 1 : i32
        %scatter3A_618 = arith.constant 0 : i32
        %scatter3A_619 = arith.constant 0 : i32
        %scatter3A_620 = tpu.memref_slice %arg6[%scatter3A_617, %scatter3A_618, %scatter3A_619] : memref<2x256x119xf32, #tpu.memory_space<vmem>> -> memref<1x256x119xf32, #tpu.memory_space<vmem>>
        %scatter3A_621 = tpu.memref_squeeze %scatter3A_620 : memref<1x256x119xf32, #tpu.memory_space<vmem>> -> memref<256x119xf32, #tpu.memory_space<vmem>>
        tpu.vector_store_idx %scatter3A_621[%add3A_64, %get3A_616], %broadcast_in_dim3A_41 : memref<256x119xf32, #tpu.memory_space<vmem>>[vector<16xi32>, vector<16xi32>], vector<16xf32>,
        %mul3A_622 = arith.constant 256 : i32
        %mul3A_623 = arith.muli %sub3A_555, %mul3A_622 : i32
        %add3A_624 = arith.constant 96 : i32
        %add3A_625 = arith.addi %mul3A_623, %add3A_624 : i32
        %get3A_626 = arith.index_cast %add3A_625 : i32 to index
        %get3A_627 = tpu.vector_load %arg5[%get3A_626] {strides = array<i32>} : memref<16384xi32, #tpu.memory_space<vmem>>, vector<16xi32>,
        %scatter3A_628 = arith.constant 1 : i32
        %scatter3A_629 = arith.constant 0 : i32
        %scatter3A_630 = arith.constant 0 : i32
        %scatter3A_631 = tpu.memref_slice %arg6[%scatter3A_628, %scatter3A_629, %scatter3A_630] : memref<2x256x119xf32, #tpu.memory_space<vmem>> -> memref<1x256x119xf32, #tpu.memory_space<vmem>>
        %scatter3A_632 = tpu.memref_squeeze %scatter3A_631 : memref<1x256x119xf32, #tpu.memory_space<vmem>> -> memref<256x119xf32, #tpu.memory_space<vmem>>
        tpu.vector_store_idx %scatter3A_632[%add3A_68, %get3A_627], %broadcast_in_dim3A_41 : memref<256x119xf32, #tpu.memory_space<vmem>>[vector<16xi32>, vector<16xi32>], vector<16xf32>,
        %mul3A_633 = arith.constant 256 : i32
        %mul3A_634 = arith.muli %sub3A_555, %mul3A_633 : i32
        %add3A_635 = arith.constant 112 : i32
        %add3A_636 = arith.addi %mul3A_634, %add3A_635 : i32
        %get3A_637 = arith.index_cast %add3A_636 : i32 to index
        %get3A_638 = tpu.vector_load %arg5[%get3A_637] {strides = array<i32>} : memref<16384xi32, #tpu.memory_space<vmem>>, vector<16xi32>,
        %scatter3A_639 = arith.constant 1 : i32
        %scatter3A_640 = arith.constant 0 : i32
        %scatter3A_641 = arith.constant 0 : i32
        %scatter3A_642 = tpu.memref_slice %arg6[%scatter3A_639, %scatter3A_640, %scatter3A_641] : memref<2x256x119xf32, #tpu.memory_space<vmem>> -> memref<1x256x119xf32, #tpu.memory_space<vmem>>
        %scatter3A_643 = tpu.memref_squeeze %scatter3A_642 : memref<1x256x119xf32, #tpu.memory_space<vmem>> -> memref<256x119xf32, #tpu.memory_space<vmem>>
        tpu.vector_store_idx %scatter3A_643[%add3A_72, %get3A_638], %broadcast_in_dim3A_41 : memref<256x119xf32, #tpu.memory_space<vmem>>[vector<16xi32>, vector<16xi32>], vector<16xf32>,
        %mul3A_644 = arith.constant 256 : i32
        %mul3A_645 = arith.muli %sub3A_555, %mul3A_644 : i32
        %add3A_646 = arith.constant 128 : i32
        %add3A_647 = arith.addi %mul3A_645, %add3A_646 : i32
        %get3A_648 = arith.index_cast %add3A_647 : i32 to index
        %get3A_649 = tpu.vector_load %arg5[%get3A_648] {strides = array<i32>} : memref<16384xi32, #tpu.memory_space<vmem>>, vector<16xi32>,
        %scatter3A_650 = arith.constant 1 : i32
        %scatter3A_651 = arith.constant 0 : i32
        %scatter3A_652 = arith.constant 0 : i32
        %scatter3A_653 = tpu.memref_slice %arg6[%scatter3A_650, %scatter3A_651, %scatter3A_652] : memref<2x256x119xf32, #tpu.memory_space<vmem>> -> memref<1x256x119xf32, #tpu.memory_space<vmem>>
        %scatter3A_654 = tpu.memref_squeeze %scatter3A_653 : memref<1x256x119xf32, #tpu.memory_space<vmem>> -> memref<256x119xf32, #tpu.memory_space<vmem>>
        tpu.vector_store_idx %scatter3A_654[%add3A_76, %get3A_649], %broadcast_in_dim3A_41 : memref<256x119xf32, #tpu.memory_space<vmem>>[vector<16xi32>, vector<16xi32>], vector<16xf32>,
        %mul3A_655 = arith.constant 256 : i32
        %mul3A_656 = arith.muli %sub3A_555, %mul3A_655 : i32
        %add3A_657 = arith.constant 144 : i32
        %add3A_658 = arith.addi %mul3A_656, %add3A_657 : i32
        %get3A_659 = arith.index_cast %add3A_658 : i32 to index
        %get3A_660 = tpu.vector_load %arg5[%get3A_659] {strides = array<i32>} : memref<16384xi32, #tpu.memory_space<vmem>>, vector<16xi32>,
        %scatter3A_661 = arith.constant 1 : i32
        %scatter3A_662 = arith.constant 0 : i32
        %scatter3A_663 = arith.constant 0 : i32
        %scatter3A_664 = tpu.memref_slice %arg6[%scatter3A_661, %scatter3A_662, %scatter3A_663] : memref<2x256x119xf32, #tpu.memory_space<vmem>> -> memref<1x256x119xf32, #tpu.memory_space<vmem>>
        %scatter3A_665 = tpu.memref_squeeze %scatter3A_664 : memref<1x256x119xf32, #tpu.memory_space<vmem>> -> memref<256x119xf32, #tpu.memory_space<vmem>>
        tpu.vector_store_idx %scatter3A_665[%add3A_80, %get3A_660], %broadcast_in_dim3A_41 : memref<256x119xf32, #tpu.memory_space<vmem>>[vector<16xi32>, vector<16xi32>], vector<16xf32>,
        %mul3A_666 = arith.constant 256 : i32
        %mul3A_667 = arith.muli %sub3A_555, %mul3A_666 : i32
        %add3A_668 = arith.constant 160 : i32
        %add3A_669 = arith.addi %mul3A_667, %add3A_668 : i32
        %get3A_670 = arith.index_cast %add3A_669 : i32 to index
        %get3A_671 = tpu.vector_load %arg5[%get3A_670] {strides = array<i32>} : memref<16384xi32, #tpu.memory_space<vmem>>, vector<16xi32>,
        %scatter3A_672 = arith.constant 1 : i32
        %scatter3A_673 = arith.constant 0 : i32
        %scatter3A_674 = arith.constant 0 : i32
        %scatter3A_675 = tpu.memref_slice %arg6[%scatter3A_672, %scatter3A_673, %scatter3A_674] : memref<2x256x119xf32, #tpu.memory_space<vmem>> -> memref<1x256x119xf32, #tpu.memory_space<vmem>>
        %scatter3A_676 = tpu.memref_squeeze %scatter3A_675 : memref<1x256x119xf32, #tpu.memory_space<vmem>> -> memref<256x119xf32, #tpu.memory_space<vmem>>
        tpu.vector_store_idx %scatter3A_676[%add3A_84, %get3A_671], %broadcast_in_dim3A_41 : memref<256x119xf32, #tpu.memory_space<vmem>>[vector<16xi32>, vector<16xi32>], vector<16xf32>,
        %mul3A_677 = arith.constant 256 : i32
        %mul3A_678 = arith.muli %sub3A_555, %mul3A_677 : i32
        %add3A_679 = arith.constant 176 : i32
        %add3A_680 = arith.addi %mul3A_678, %add3A_679 : i32
        %get3A_681 = arith.index_cast %add3A_680 : i32 to index
        %get3A_682 = tpu.vector_load %arg5[%get3A_681] {strides = array<i32>} : memref<16384xi32, #tpu.memory_space<vmem>>, vector<16xi32>,
        %scatter3A_683 = arith.constant 1 : i32
        %scatter3A_684 = arith.constant 0 : i32
        %scatter3A_685 = arith.constant 0 : i32
        %scatter3A_686 = tpu.memref_slice %arg6[%scatter3A_683, %scatter3A_684, %scatter3A_685] : memref<2x256x119xf32, #tpu.memory_space<vmem>> -> memref<1x256x119xf32, #tpu.memory_space<vmem>>
        %scatter3A_687 = tpu.memref_squeeze %scatter3A_686 : memref<1x256x119xf32, #tpu.memory_space<vmem>> -> memref<256x119xf32, #tpu.memory_space<vmem>>
        tpu.vector_store_idx %scatter3A_687[%add3A_88, %get3A_682], %broadcast_in_dim3A_41 : memref<256x119xf32, #tpu.memory_space<vmem>>[vector<16xi32>, vector<16xi32>], vector<16xf32>,
        %mul3A_688 = arith.constant 256 : i32
        %mul3A_689 = arith.muli %sub3A_555, %mul3A_688 : i32
        %add3A_690 = arith.constant 192 : i32
        %add3A_691 = arith.addi %mul3A_689, %add3A_690 : i32
        %get3A_692 = arith.index_cast %add3A_691 : i32 to index
        %get3A_693 = tpu.vector_load %arg5[%get3A_692] {strides = array<i32>} : memref<16384xi32, #tpu.memory_space<vmem>>, vector<16xi32>,
        %scatter3A_694 = arith.constant 1 : i32
        %scatter3A_695 = arith.constant 0 : i32
        %scatter3A_696 = arith.constant 0 : i32
        %scatter3A_697 = tpu.memref_slice %arg6[%scatter3A_694, %scatter3A_695, %scatter3A_696] : memref<2x256x119xf32, #tpu.memory_space<vmem>> -> memref<1x256x119xf32, #tpu.memory_space<vmem>>
        %scatter3A_698 = tpu.memref_squeeze %scatter3A_697 : memref<1x256x119xf32, #tpu.memory_space<vmem>> -> memref<256x119xf32, #tpu.memory_space<vmem>>
        tpu.vector_store_idx %scatter3A_698[%add3A_92, %get3A_693], %broadcast_in_dim3A_41 : memref<256x119xf32, #tpu.memory_space<vmem>>[vector<16xi32>, vector<16xi32>], vector<16xf32>,
        %mul3A_699 = arith.constant 256 : i32
        %mul3A_700 = arith.muli %sub3A_555, %mul3A_699 : i32
        %add3A_701 = arith.constant 208 : i32
        %add3A_702 = arith.addi %mul3A_700, %add3A_701 : i32
        %get3A_703 = arith.index_cast %add3A_702 : i32 to index
        %get3A_704 = tpu.vector_load %arg5[%get3A_703] {strides = array<i32>} : memref<16384xi32, #tpu.memory_space<vmem>>, vector<16xi32>,
        %scatter3A_705 = arith.constant 1 : i32
        %scatter3A_706 = arith.constant 0 : i32
        %scatter3A_707 = arith.constant 0 : i32
        %scatter3A_708 = tpu.memref_slice %arg6[%scatter3A_705, %scatter3A_706, %scatter3A_707] : memref<2x256x119xf32, #tpu.memory_space<vmem>> -> memref<1x256x119xf32, #tpu.memory_space<vmem>>
        %scatter3A_709 = tpu.memref_squeeze %scatter3A_708 : memref<1x256x119xf32, #tpu.memory_space<vmem>> -> memref<256x119xf32, #tpu.memory_space<vmem>>
        tpu.vector_store_idx %scatter3A_709[%add3A_96, %get3A_704], %broadcast_in_dim3A_41 : memref<256x119xf32, #tpu.memory_space<vmem>>[vector<16xi32>, vector<16xi32>], vector<16xf32>,
        %mul3A_710 = arith.constant 256 : i32
        %mul3A_711 = arith.muli %sub3A_555, %mul3A_710 : i32
        %add3A_712 = arith.constant 224 : i32
        %add3A_713 = arith.addi %mul3A_711, %add3A_712 : i32
        %get3A_714 = arith.index_cast %add3A_713 : i32 to index
        %get3A_715 = tpu.vector_load %arg5[%get3A_714] {strides = array<i32>} : memref<16384xi32, #tpu.memory_space<vmem>>, vector<16xi32>,
        %scatter3A_716 = arith.constant 1 : i32
        %scatter3A_717 = arith.constant 0 : i32
        %scatter3A_718 = arith.constant 0 : i32
        %scatter3A_719 = tpu.memref_slice %arg6[%scatter3A_716, %scatter3A_717, %scatter3A_718] : memref<2x256x119xf32, #tpu.memory_space<vmem>> -> memref<1x256x119xf32, #tpu.memory_space<vmem>>
        %scatter3A_720 = tpu.memref_squeeze %scatter3A_719 : memref<1x256x119xf32, #tpu.memory_space<vmem>> -> memref<256x119xf32, #tpu.memory_space<vmem>>
        tpu.vector_store_idx %scatter3A_720[%add3A_100, %get3A_715], %broadcast_in_dim3A_41 : memref<256x119xf32, #tpu.memory_space<vmem>>[vector<16xi32>, vector<16xi32>], vector<16xf32>,
        %mul3A_721 = arith.constant 256 : i32
        %mul3A_722 = arith.muli %sub3A_555, %mul3A_721 : i32
        %add3A_723 = arith.constant 240 : i32
        %add3A_724 = arith.addi %mul3A_722, %add3A_723 : i32
        %get3A_725 = arith.index_cast %add3A_724 : i32 to index
        %get3A_726 = tpu.vector_load %arg5[%get3A_725] {strides = array<i32>} : memref<16384xi32, #tpu.memory_space<vmem>>, vector<16xi32>,
        %scatter3A_727 = arith.constant 1 : i32
        %scatter3A_728 = arith.constant 0 : i32
        %scatter3A_729 = arith.constant 0 : i32
        %scatter3A_730 = tpu.memref_slice %arg6[%scatter3A_727, %scatter3A_728, %scatter3A_729] : memref<2x256x119xf32, #tpu.memory_space<vmem>> -> memref<1x256x119xf32, #tpu.memory_space<vmem>>
        %scatter3A_731 = tpu.memref_squeeze %scatter3A_730 : memref<1x256x119xf32, #tpu.memory_space<vmem>> -> memref<256x119xf32, #tpu.memory_space<vmem>>
        tpu.vector_store_idx %scatter3A_731[%add3A_104, %get3A_726], %broadcast_in_dim3A_41 : memref<256x119xf32, #tpu.memory_space<vmem>>[vector<16xi32>, vector<16xi32>], vector<16xf32>,
      } else {
      }
      %mul3A_345 = arith.constant 256 : i32
      %mul3A_346 = arith.muli %add3A_339, %mul3A_345 : i32
      %add3A_347 = arith.constant 0 : i32
      %add3A_348 = arith.addi %mul3A_346, %add3A_347 : i32
      %get3A_349 = arith.index_cast %add3A_348 : i32 to index
      %get3A_350 = tpu.vector_load %arg5[%get3A_349] {strides = array<i32>} : memref<16384xi32, #tpu.memory_space<vmem>>, vector<16xi32>,
      %scatter3A_351 = arith.constant 1 : i32
      %scatter3A_352 = arith.constant 0 : i32
      %scatter3A_353 = arith.constant 0 : i32
      %scatter3A_354 = tpu.memref_slice %arg6[%scatter3A_351, %scatter3A_352, %scatter3A_353] : memref<2x256x119xf32, #tpu.memory_space<vmem>> -> memref<1x256x119xf32, #tpu.memory_space<vmem>>
      %scatter3A_355 = tpu.memref_squeeze %scatter3A_354 : memref<1x256x119xf32, #tpu.memory_space<vmem>> -> memref<256x119xf32, #tpu.memory_space<vmem>>
      tpu.vector_store_idx %scatter3A_355[%add3A_44, %get3A_350], %broadcast_in_dim3A_39 : memref<256x119xf32, #tpu.memory_space<vmem>>[vector<16xi32>, vector<16xi32>], vector<16xf32>,
      %mul3A_356 = arith.constant 256 : i32
      %mul3A_357 = arith.muli %add3A_339, %mul3A_356 : i32
      %add3A_358 = arith.constant 16 : i32
      %add3A_359 = arith.addi %mul3A_357, %add3A_358 : i32
      %get3A_360 = arith.index_cast %add3A_359 : i32 to index
      %get3A_361 = tpu.vector_load %arg5[%get3A_360] {strides = array<i32>} : memref<16384xi32, #tpu.memory_space<vmem>>, vector<16xi32>,
      %scatter3A_362 = arith.constant 1 : i32
      %scatter3A_363 = arith.constant 0 : i32
      %scatter3A_364 = arith.constant 0 : i32
      %scatter3A_365 = tpu.memref_slice %arg6[%scatter3A_362, %scatter3A_363, %scatter3A_364] : memref<2x256x119xf32, #tpu.memory_space<vmem>> -> memref<1x256x119xf32, #tpu.memory_space<vmem>>
      %scatter3A_366 = tpu.memref_squeeze %scatter3A_365 : memref<1x256x119xf32, #tpu.memory_space<vmem>> -> memref<256x119xf32, #tpu.memory_space<vmem>>
      tpu.vector_store_idx %scatter3A_366[%add3A_48, %get3A_361], %broadcast_in_dim3A_39 : memref<256x119xf32, #tpu.memory_space<vmem>>[vector<16xi32>, vector<16xi32>], vector<16xf32>,
      %mul3A_367 = arith.constant 256 : i32
      %mul3A_368 = arith.muli %add3A_339, %mul3A_367 : i32
      %add3A_369 = arith.constant 32 : i32
      %add3A_370 = arith.addi %mul3A_368, %add3A_369 : i32
      %get3A_371 = arith.index_cast %add3A_370 : i32 to index
      %get3A_372 = tpu.vector_load %arg5[%get3A_371] {strides = array<i32>} : memref<16384xi32, #tpu.memory_space<vmem>>, vector<16xi32>,
      %scatter3A_373 = arith.constant 1 : i32
      %scatter3A_374 = arith.constant 0 : i32
      %scatter3A_375 = arith.constant 0 : i32
      %scatter3A_376 = tpu.memref_slice %arg6[%scatter3A_373, %scatter3A_374, %scatter3A_375] : memref<2x256x119xf32, #tpu.memory_space<vmem>> -> memref<1x256x119xf32, #tpu.memory_space<vmem>>
      %scatter3A_377 = tpu.memref_squeeze %scatter3A_376 : memref<1x256x119xf32, #tpu.memory_space<vmem>> -> memref<256x119xf32, #tpu.memory_space<vmem>>
      tpu.vector_store_idx %scatter3A_377[%add3A_52, %get3A_372], %broadcast_in_dim3A_39 : memref<256x119xf32, #tpu.memory_space<vmem>>[vector<16xi32>, vector<16xi32>], vector<16xf32>,
      %mul3A_378 = arith.constant 256 : i32
      %mul3A_379 = arith.muli %add3A_339, %mul3A_378 : i32
      %add3A_380 = arith.constant 48 : i32
      %add3A_381 = arith.addi %mul3A_379, %add3A_380 : i32
      %get3A_382 = arith.index_cast %add3A_381 : i32 to index
      %get3A_383 = tpu.vector_load %arg5[%get3A_382] {strides = array<i32>} : memref<16384xi32, #tpu.memory_space<vmem>>, vector<16xi32>,
      %scatter3A_384 = arith.constant 1 : i32
      %scatter3A_385 = arith.constant 0 : i32
      %scatter3A_386 = arith.constant 0 : i32
      %scatter3A_387 = tpu.memref_slice %arg6[%scatter3A_384, %scatter3A_385, %scatter3A_386] : memref<2x256x119xf32, #tpu.memory_space<vmem>> -> memref<1x256x119xf32, #tpu.memory_space<vmem>>
      %scatter3A_388 = tpu.memref_squeeze %scatter3A_387 : memref<1x256x119xf32, #tpu.memory_space<vmem>> -> memref<256x119xf32, #tpu.memory_space<vmem>>
      tpu.vector_store_idx %scatter3A_388[%add3A_56, %get3A_383], %broadcast_in_dim3A_39 : memref<256x119xf32, #tpu.memory_space<vmem>>[vector<16xi32>, vector<16xi32>], vector<16xf32>,
      %mul3A_389 = arith.constant 256 : i32
      %mul3A_390 = arith.muli %add3A_339, %mul3A_389 : i32
      %add3A_391 = arith.constant 64 : i32
      %add3A_392 = arith.addi %mul3A_390, %add3A_391 : i32
      %get3A_393 = arith.index_cast %add3A_392 : i32 to index
      %get3A_394 = tpu.vector_load %arg5[%get3A_393] {strides = array<i32>} : memref<16384xi32, #tpu.memory_space<vmem>>, vector<16xi32>,
      %scatter3A_395 = arith.constant 1 : i32
      %scatter3A_396 = arith.constant 0 : i32
      %scatter3A_397 = arith.constant 0 : i32
      %scatter3A_398 = tpu.memref_slice %arg6[%scatter3A_395, %scatter3A_396, %scatter3A_397] : memref<2x256x119xf32, #tpu.memory_space<vmem>> -> memref<1x256x119xf32, #tpu.memory_space<vmem>>
      %scatter3A_399 = tpu.memref_squeeze %scatter3A_398 : memref<1x256x119xf32, #tpu.memory_space<vmem>> -> memref<256x119xf32, #tpu.memory_space<vmem>>
      tpu.vector_store_idx %scatter3A_399[%add3A_60, %get3A_394], %broadcast_in_dim3A_39 : memref<256x119xf32, #tpu.memory_space<vmem>>[vector<16xi32>, vector<16xi32>], vector<16xf32>,
      %mul3A_400 = arith.constant 256 : i32
      %mul3A_401 = arith.muli %add3A_339, %mul3A_400 : i32
      %add3A_402 = arith.constant 80 : i32
      %add3A_403 = arith.addi %mul3A_401, %add3A_402 : i32
      %get3A_404 = arith.index_cast %add3A_403 : i32 to index
      %get3A_405 = tpu.vector_load %arg5[%get3A_404] {strides = array<i32>} : memref<16384xi32, #tpu.memory_space<vmem>>, vector<16xi32>,
      %scatter3A_406 = arith.constant 1 : i32
      %scatter3A_407 = arith.constant 0 : i32
      %scatter3A_408 = arith.constant 0 : i32
      %scatter3A_409 = tpu.memref_slice %arg6[%scatter3A_406, %scatter3A_407, %scatter3A_408] : memref<2x256x119xf32, #tpu.memory_space<vmem>> -> memref<1x256x119xf32, #tpu.memory_space<vmem>>
      %scatter3A_410 = tpu.memref_squeeze %scatter3A_409 : memref<1x256x119xf32, #tpu.memory_space<vmem>> -> memref<256x119xf32, #tpu.memory_space<vmem>>
      tpu.vector_store_idx %scatter3A_410[%add3A_64, %get3A_405], %broadcast_in_dim3A_39 : memref<256x119xf32, #tpu.memory_space<vmem>>[vector<16xi32>, vector<16xi32>], vector<16xf32>,
      %mul3A_411 = arith.constant 256 : i32
      %mul3A_412 = arith.muli %add3A_339, %mul3A_411 : i32
      %add3A_413 = arith.constant 96 : i32
      %add3A_414 = arith.addi %mul3A_412, %add3A_413 : i32
      %get3A_415 = arith.index_cast %add3A_414 : i32 to index
      %get3A_416 = tpu.vector_load %arg5[%get3A_415] {strides = array<i32>} : memref<16384xi32, #tpu.memory_space<vmem>>, vector<16xi32>,
      %scatter3A_417 = arith.constant 1 : i32
      %scatter3A_418 = arith.constant 0 : i32
      %scatter3A_419 = arith.constant 0 : i32
      %scatter3A_420 = tpu.memref_slice %arg6[%scatter3A_417, %scatter3A_418, %scatter3A_419] : memref<2x256x119xf32, #tpu.memory_space<vmem>> -> memref<1x256x119xf32, #tpu.memory_space<vmem>>
      %scatter3A_421 = tpu.memref_squeeze %scatter3A_420 : memref<1x256x119xf32, #tpu.memory_space<vmem>> -> memref<256x119xf32, #tpu.memory_space<vmem>>
      tpu.vector_store_idx %scatter3A_421[%add3A_68, %get3A_416], %broadcast_in_dim3A_39 : memref<256x119xf32, #tpu.memory_space<vmem>>[vector<16xi32>, vector<16xi32>], vector<16xf32>,
      %mul3A_422 = arith.constant 256 : i32
      %mul3A_423 = arith.muli %add3A_339, %mul3A_422 : i32
      %add3A_424 = arith.constant 112 : i32
      %add3A_425 = arith.addi %mul3A_423, %add3A_424 : i32
      %get3A_426 = arith.index_cast %add3A_425 : i32 to index
      %get3A_427 = tpu.vector_load %arg5[%get3A_426] {strides = array<i32>} : memref<16384xi32, #tpu.memory_space<vmem>>, vector<16xi32>,
      %scatter3A_428 = arith.constant 1 : i32
      %scatter3A_429 = arith.constant 0 : i32
      %scatter3A_430 = arith.constant 0 : i32
      %scatter3A_431 = tpu.memref_slice %arg6[%scatter3A_428, %scatter3A_429, %scatter3A_430] : memref<2x256x119xf32, #tpu.memory_space<vmem>> -> memref<1x256x119xf32, #tpu.memory_space<vmem>>
      %scatter3A_432 = tpu.memref_squeeze %scatter3A_431 : memref<1x256x119xf32, #tpu.memory_space<vmem>> -> memref<256x119xf32, #tpu.memory_space<vmem>>
      tpu.vector_store_idx %scatter3A_432[%add3A_72, %get3A_427], %broadcast_in_dim3A_39 : memref<256x119xf32, #tpu.memory_space<vmem>>[vector<16xi32>, vector<16xi32>], vector<16xf32>,
      %mul3A_433 = arith.constant 256 : i32
      %mul3A_434 = arith.muli %add3A_339, %mul3A_433 : i32
      %add3A_435 = arith.constant 128 : i32
      %add3A_436 = arith.addi %mul3A_434, %add3A_435 : i32
      %get3A_437 = arith.index_cast %add3A_436 : i32 to index
      %get3A_438 = tpu.vector_load %arg5[%get3A_437] {strides = array<i32>} : memref<16384xi32, #tpu.memory_space<vmem>>, vector<16xi32>,
      %scatter3A_439 = arith.constant 1 : i32
      %scatter3A_440 = arith.constant 0 : i32
      %scatter3A_441 = arith.constant 0 : i32
      %scatter3A_442 = tpu.memref_slice %arg6[%scatter3A_439, %scatter3A_440, %scatter3A_441] : memref<2x256x119xf32, #tpu.memory_space<vmem>> -> memref<1x256x119xf32, #tpu.memory_space<vmem>>
      %scatter3A_443 = tpu.memref_squeeze %scatter3A_442 : memref<1x256x119xf32, #tpu.memory_space<vmem>> -> memref<256x119xf32, #tpu.memory_space<vmem>>
      tpu.vector_store_idx %scatter3A_443[%add3A_76, %get3A_438], %broadcast_in_dim3A_39 : memref<256x119xf32, #tpu.memory_space<vmem>>[vector<16xi32>, vector<16xi32>], vector<16xf32>,
      %mul3A_444 = arith.constant 256 : i32
      %mul3A_445 = arith.muli %add3A_339, %mul3A_444 : i32
      %add3A_446 = arith.constant 144 : i32
      %add3A_447 = arith.addi %mul3A_445, %add3A_446 : i32
      %get3A_448 = arith.index_cast %add3A_447 : i32 to index
      %get3A_449 = tpu.vector_load %arg5[%get3A_448] {strides = array<i32>} : memref<16384xi32, #tpu.memory_space<vmem>>, vector<16xi32>,
      %scatter3A_450 = arith.constant 1 : i32
      %scatter3A_451 = arith.constant 0 : i32
      %scatter3A_452 = arith.constant 0 : i32
      %scatter3A_453 = tpu.memref_slice %arg6[%scatter3A_450, %scatter3A_451, %scatter3A_452] : memref<2x256x119xf32, #tpu.memory_space<vmem>> -> memref<1x256x119xf32, #tpu.memory_space<vmem>>
      %scatter3A_454 = tpu.memref_squeeze %scatter3A_453 : memref<1x256x119xf32, #tpu.memory_space<vmem>> -> memref<256x119xf32, #tpu.memory_space<vmem>>
      tpu.vector_store_idx %scatter3A_454[%add3A_80, %get3A_449], %broadcast_in_dim3A_39 : memref<256x119xf32, #tpu.memory_space<vmem>>[vector<16xi32>, vector<16xi32>], vector<16xf32>,
      %mul3A_455 = arith.constant 256 : i32
      %mul3A_456 = arith.muli %add3A_339, %mul3A_455 : i32
      %add3A_457 = arith.constant 160 : i32
      %add3A_458 = arith.addi %mul3A_456, %add3A_457 : i32
      %get3A_459 = arith.index_cast %add3A_458 : i32 to index
      %get3A_460 = tpu.vector_load %arg5[%get3A_459] {strides = array<i32>} : memref<16384xi32, #tpu.memory_space<vmem>>, vector<16xi32>,
      %scatter3A_461 = arith.constant 1 : i32
      %scatter3A_462 = arith.constant 0 : i32
      %scatter3A_463 = arith.constant 0 : i32
      %scatter3A_464 = tpu.memref_slice %arg6[%scatter3A_461, %scatter3A_462, %scatter3A_463] : memref<2x256x119xf32, #tpu.memory_space<vmem>> -> memref<1x256x119xf32, #tpu.memory_space<vmem>>
      %scatter3A_465 = tpu.memref_squeeze %scatter3A_464 : memref<1x256x119xf32, #tpu.memory_space<vmem>> -> memref<256x119xf32, #tpu.memory_space<vmem>>
      tpu.vector_store_idx %scatter3A_465[%add3A_84, %get3A_460], %broadcast_in_dim3A_39 : memref<256x119xf32, #tpu.memory_space<vmem>>[vector<16xi32>, vector<16xi32>], vector<16xf32>,
      %mul3A_466 = arith.constant 256 : i32
      %mul3A_467 = arith.muli %add3A_339, %mul3A_466 : i32
      %add3A_468 = arith.constant 176 : i32
      %add3A_469 = arith.addi %mul3A_467, %add3A_468 : i32
      %get3A_470 = arith.index_cast %add3A_469 : i32 to index
      %get3A_471 = tpu.vector_load %arg5[%get3A_470] {strides = array<i32>} : memref<16384xi32, #tpu.memory_space<vmem>>, vector<16xi32>,
      %scatter3A_472 = arith.constant 1 : i32
      %scatter3A_473 = arith.constant 0 : i32
      %scatter3A_474 = arith.constant 0 : i32
      %scatter3A_475 = tpu.memref_slice %arg6[%scatter3A_472, %scatter3A_473, %scatter3A_474] : memref<2x256x119xf32, #tpu.memory_space<vmem>> -> memref<1x256x119xf32, #tpu.memory_space<vmem>>
      %scatter3A_476 = tpu.memref_squeeze %scatter3A_475 : memref<1x256x119xf32, #tpu.memory_space<vmem>> -> memref<256x119xf32, #tpu.memory_space<vmem>>
      tpu.vector_store_idx %scatter3A_476[%add3A_88, %get3A_471], %broadcast_in_dim3A_39 : memref<256x119xf32, #tpu.memory_space<vmem>>[vector<16xi32>, vector<16xi32>], vector<16xf32>,
      %mul3A_477 = arith.constant 256 : i32
      %mul3A_478 = arith.muli %add3A_339, %mul3A_477 : i32
      %add3A_479 = arith.constant 192 : i32
      %add3A_480 = arith.addi %mul3A_478, %add3A_479 : i32
      %get3A_481 = arith.index_cast %add3A_480 : i32 to index
      %get3A_482 = tpu.vector_load %arg5[%get3A_481] {strides = array<i32>} : memref<16384xi32, #tpu.memory_space<vmem>>, vector<16xi32>,
      %scatter3A_483 = arith.constant 1 : i32
      %scatter3A_484 = arith.constant 0 : i32
      %scatter3A_485 = arith.constant 0 : i32
      %scatter3A_486 = tpu.memref_slice %arg6[%scatter3A_483, %scatter3A_484, %scatter3A_485] : memref<2x256x119xf32, #tpu.memory_space<vmem>> -> memref<1x256x119xf32, #tpu.memory_space<vmem>>
      %scatter3A_487 = tpu.memref_squeeze %scatter3A_486 : memref<1x256x119xf32, #tpu.memory_space<vmem>> -> memref<256x119xf32, #tpu.memory_space<vmem>>
      tpu.vector_store_idx %scatter3A_487[%add3A_92, %get3A_482], %broadcast_in_dim3A_39 : memref<256x119xf32, #tpu.memory_space<vmem>>[vector<16xi32>, vector<16xi32>], vector<16xf32>,
      %mul3A_488 = arith.constant 256 : i32
      %mul3A_489 = arith.muli %add3A_339, %mul3A_488 : i32
      %add3A_490 = arith.constant 208 : i32
      %add3A_491 = arith.addi %mul3A_489, %add3A_490 : i32
      %get3A_492 = arith.index_cast %add3A_491 : i32 to index
      %get3A_493 = tpu.vector_load %arg5[%get3A_492] {strides = array<i32>} : memref<16384xi32, #tpu.memory_space<vmem>>, vector<16xi32>,
      %scatter3A_494 = arith.constant 1 : i32
      %scatter3A_495 = arith.constant 0 : i32
      %scatter3A_496 = arith.constant 0 : i32
      %scatter3A_497 = tpu.memref_slice %arg6[%scatter3A_494, %scatter3A_495, %scatter3A_496] : memref<2x256x119xf32, #tpu.memory_space<vmem>> -> memref<1x256x119xf32, #tpu.memory_space<vmem>>
      %scatter3A_498 = tpu.memref_squeeze %scatter3A_497 : memref<1x256x119xf32, #tpu.memory_space<vmem>> -> memref<256x119xf32, #tpu.memory_space<vmem>>
      tpu.vector_store_idx %scatter3A_498[%add3A_96, %get3A_493], %broadcast_in_dim3A_39 : memref<256x119xf32, #tpu.memory_space<vmem>>[vector<16xi32>, vector<16xi32>], vector<16xf32>,
      %mul3A_499 = arith.constant 256 : i32
      %mul3A_500 = arith.muli %add3A_339, %mul3A_499 : i32
      %add3A_501 = arith.constant 224 : i32
      %add3A_502 = arith.addi %mul3A_500, %add3A_501 : i32
      %get3A_503 = arith.index_cast %add3A_502 : i32 to index
      %get3A_504 = tpu.vector_load %arg5[%get3A_503] {strides = array<i32>} : memref<16384xi32, #tpu.memory_space<vmem>>, vector<16xi32>,
      %scatter3A_505 = arith.constant 1 : i32
      %scatter3A_506 = arith.constant 0 : i32
      %scatter3A_507 = arith.constant 0 : i32
      %scatter3A_508 = tpu.memref_slice %arg6[%scatter3A_505, %scatter3A_506, %scatter3A_507] : memref<2x256x119xf32, #tpu.memory_space<vmem>> -> memref<1x256x119xf32, #tpu.memory_space<vmem>>
      %scatter3A_509 = tpu.memref_squeeze %scatter3A_508 : memref<1x256x119xf32, #tpu.memory_space<vmem>> -> memref<256x119xf32, #tpu.memory_space<vmem>>
      tpu.vector_store_idx %scatter3A_509[%add3A_100, %get3A_504], %broadcast_in_dim3A_39 : memref<256x119xf32, #tpu.memory_space<vmem>>[vector<16xi32>, vector<16xi32>], vector<16xf32>,
      %mul3A_510 = arith.constant 256 : i32
      %mul3A_511 = arith.muli %add3A_339, %mul3A_510 : i32
      %add3A_512 = arith.constant 240 : i32
      %add3A_513 = arith.addi %mul3A_511, %add3A_512 : i32
      %get3A_514 = arith.index_cast %add3A_513 : i32 to index
      %get3A_515 = tpu.vector_load %arg5[%get3A_514] {strides = array<i32>} : memref<16384xi32, #tpu.memory_space<vmem>>, vector<16xi32>,
      %scatter3A_516 = arith.constant 1 : i32
      %scatter3A_517 = arith.constant 0 : i32
      %scatter3A_518 = arith.constant 0 : i32
      %scatter3A_519 = tpu.memref_slice %arg6[%scatter3A_516, %scatter3A_517, %scatter3A_518] : memref<2x256x119xf32, #tpu.memory_space<vmem>> -> memref<1x256x119xf32, #tpu.memory_space<vmem>>
      %scatter3A_520 = tpu.memref_squeeze %scatter3A_519 : memref<1x256x119xf32, #tpu.memory_space<vmem>> -> memref<256x119xf32, #tpu.memory_space<vmem>>
      tpu.vector_store_idx %scatter3A_520[%add3A_104, %get3A_515], %broadcast_in_dim3A_39 : memref<256x119xf32, #tpu.memory_space<vmem>>[vector<16xi32>, vector<16xi32>], vector<16xf32>,
      %mul3A_521 = arith.constant 256 : i32
      %mul3A_522 = arith.muli %add3A_339, %mul3A_521 : i32
      %add3A_523 = arith.addi %mul3A_2, %mul3A_522 : i32
      %dma_start3A_524 = arith.constant 1 : i32
      %dma_start3A_525 = arith.constant 0 : i32
      %dma_start3A_526 = arith.constant 0 : i32
      %dma_start3A_527 = tpu.memref_slice %arg6[%dma_start3A_524, %dma_start3A_525, %dma_start3A_526] : memref<2x256x119xf32, #tpu.memory_space<vmem>> -> memref<1x256x119xf32, #tpu.memory_space<vmem>>
      %dma_start3A_528 = tpu.memref_squeeze %dma_start3A_527 : memref<1x256x119xf32, #tpu.memory_space<vmem>> -> memref<256x119xf32, #tpu.memory_space<vmem>>
      %dma_start3A_529 = arith.constant 0 : i32
      %dma_start3A_530 = tpu.memref_slice %arg4[%add3A_523, %dma_start3A_529] : memref<524288x119xf32, #tpu.memory_space<hbm>> -> memref<256x119xf32, #tpu.memory_space<hbm>>
      %dma_start3A_531 = arith.constant 0 : i32
      %dma_start3A_532 = tpu.memref_slice %arg4[%add3A_523, %dma_start3A_531] : memref<524288x119xf32, #tpu.memory_space<hbm>> -> memref<256x119xf32, #tpu.memory_space<hbm>>
      %dma_start3A_533 = arith.constant 0 : i32
      %dma_start3A_534 = arith.constant 0 : i32
      %dma_start3A_535 = tpu.memref_slice %arg6[%dma_start3A_524, %dma_start3A_533, %dma_start3A_534] : memref<2x256x119xf32, #tpu.memory_space<vmem>> -> memref<1x256x119xf32, #tpu.memory_space<vmem>>
      %dma_start3A_536 = tpu.memref_squeeze %dma_start3A_535 : memref<1x256x119xf32, #tpu.memory_space<vmem>> -> memref<256x119xf32, #tpu.memory_space<vmem>>
      tpu.enqueue_dma source(%dma_start3A_536 : memref<256x119xf32, #tpu.memory_space<vmem>>) target(%dma_start3A_532 : memref<256x119xf32, #tpu.memory_space<hbm>>) target_semaphore(%arg8 : memref<!tpu.dma_semaphore, #tpu.memory_space<semaphore_mem>>)
    }
    %scan3A_108 = arith.constant 32 : i32
    %add3A_109 = arith.constant 15872 : i32
    %add3A_110 = arith.addi %mul3A_2, %add3A_109 : i32
    %dma_wait3A_111 = arith.constant 0 : i32
    %dma_wait3A_112 = arith.constant 0 : i32
    %dma_wait3A_113 = arith.constant 0 : i32
    %dma_wait3A_114 = tpu.memref_slice %arg6[%dma_wait3A_111, %dma_wait3A_112, %dma_wait3A_113] : memref<2x256x119xf32, #tpu.memory_space<vmem>> -> memref<1x256x119xf32, #tpu.memory_space<vmem>>
    %dma_wait3A_115 = tpu.memref_squeeze %dma_wait3A_114 : memref<1x256x119xf32, #tpu.memory_space<vmem>> -> memref<256x119xf32, #tpu.memory_space<vmem>>
    %dma_wait3A_116 = arith.constant 0 : i32
    %dma_wait3A_117 = tpu.memref_slice %arg4[%add3A_110, %dma_wait3A_116] : memref<524288x119xf32, #tpu.memory_space<hbm>> -> memref<256x119xf32, #tpu.memory_space<hbm>>
    %dma_wait3A_118 = arith.constant 0 : i32
    %dma_wait3A_119 = tpu.memref_slice %arg4[%add3A_110, %dma_wait3A_118] : memref<524288x119xf32, #tpu.memory_space<hbm>> -> memref<256x119xf32, #tpu.memory_space<hbm>>
    %dma_wait3A_120 = arith.constant 0 : i32
    %dma_wait3A_121 = arith.constant 0 : i32
    %dma_wait3A_122 = tpu.memref_slice %arg6[%dma_wait3A_111, %dma_wait3A_120, %dma_wait3A_121] : memref<2x256x119xf32, #tpu.memory_space<vmem>> -> memref<1x256x119xf32, #tpu.memory_space<vmem>>
    %dma_wait3A_123 = tpu.memref_squeeze %dma_wait3A_122 : memref<1x256x119xf32, #tpu.memory_space<vmem>> -> memref<256x119xf32, #tpu.memory_space<vmem>>
    tpu.wait_dma2 semaphore(%arg7 : memref<!tpu.dma_semaphore, #tpu.memory_space<semaphore_mem>>) src(%dma_wait3A_123 : memref<256x119xf32, #tpu.memory_space<vmem>>) dst(%dma_wait3A_119 : memref<256x119xf32, #tpu.memory_space<hbm>>)
    %add3A_124 = arith.constant 16128 : i32
    %add3A_125 = arith.addi %mul3A_2, %add3A_124 : i32
    %dma_wait3A_126 = arith.constant 1 : i32
    %dma_wait3A_127 = arith.constant 0 : i32
    %dma_wait3A_128 = arith.constant 0 : i32
    %dma_wait3A_129 = tpu.memref_slice %arg6[%dma_wait3A_126, %dma_wait3A_127, %dma_wait3A_128] : memref<2x256x119xf32, #tpu.memory_space<vmem>> -> memref<1x256x119xf32, #tpu.memory_space<vmem>>
    %dma_wait3A_130 = tpu.memref_squeeze %dma_wait3A_129 : memref<1x256x119xf32, #tpu.memory_space<vmem>> -> memref<256x119xf32, #tpu.memory_space<vmem>>
    %dma_wait3A_131 = arith.constant 0 : i32
    %dma_wait3A_132 = tpu.memref_slice %arg4[%add3A_125, %dma_wait3A_131] : memref<524288x119xf32, #tpu.memory_space<hbm>> -> memref<256x119xf32, #tpu.memory_space<hbm>>
    %dma_wait3A_133 = arith.constant 0 : i32
    %dma_wait3A_134 = tpu.memref_slice %arg4[%add3A_125, %dma_wait3A_133] : memref<524288x119xf32, #tpu.memory_space<hbm>> -> memref<256x119xf32, #tpu.memory_space<hbm>>
    %dma_wait3A_135 = arith.constant 0 : i32
    %dma_wait3A_136 = arith.constant 0 : i32
    %dma_wait3A_137 = tpu.memref_slice %arg6[%dma_wait3A_126, %dma_wait3A_135, %dma_wait3A_136] : memref<2x256x119xf32, #tpu.memory_space<vmem>> -> memref<1x256x119xf32, #tpu.memory_space<vmem>>
    %dma_wait3A_138 = tpu.memref_squeeze %dma_wait3A_137 : memref<1x256x119xf32, #tpu.memory_space<vmem>> -> memref<256x119xf32, #tpu.memory_space<vmem>>
    tpu.wait_dma2 semaphore(%arg8 : memref<!tpu.dma_semaphore, #tpu.memory_space<semaphore_mem>>) src(%dma_wait3A_138 : memref<256x119xf32, #tpu.memory_space<vmem>>) dst(%dma_wait3A_134 : memref<256x119xf32, #tpu.memory_space<hbm>>)
    return
  }
}

</mosaic_0001>

<sc_bundles>
// kernel: kernel.3.cloned.1.call-start
scs
__scs_entry_jumppad:
0x0: {  	(pc) =	sbr.rel $0x88, $3  }
0x1: {  	(tag) =	ssettag $0x0;
	lr =	simm.s32 $0x1  }
0x2: {  	[smem:$0x3FA0] =	sst lr;
	_ =	strace $0xD0000000  }
0x3: {  	_ = 	snop  }
0x4: {  	_ = 	snop  }
0x5: {  	_ = 	snop  }
0x6: {  	_ = 	snop  }
0x7: {  	_ = 	snop  }
__scs_overlays_trampoline_lowered:
0x8: {  	[smem:$0x3FAF] =	sst s0  }
0x9: {  	[smem:$0x3FB0] =	sst s1  }
0xa: {  	[smem:$0x3FB1] =	sst s2  }
0xb: {  	[smem:$0x3FB2] =	sst s3  }
0xc: {  	[smem:$0x3FB3] =	sst s4  }
0xd: {  	[smem:$0x3FB4] =	sst s5  }
0xe: {  	[smem:$0x3FB5] =	sst s6  }
0xf: {  	[smem:$0x3FB6] =	sst s7  }
0x10: {  	[smem:$0x3FB7] =	sst s8  }
0x11: {  	[smem:$0x3FB8] =	sst s9;
	s0 =	simm.s32 @!p0 $0x0  }
0x12: {  	s1 =	sld [smem:$0x3F9E];
	s0 =	simm.s32 @p0 $0x1  }
0x13: {  	[smem:$0x3FB9] =	sst s0;
	s0 =	simm.s32 @!p1 $0x0  }
0x14: {  	s2 =	sld [smem:$0x3F9D];
	s0 =	simm.s32 @p1 $0x1  }
0x15: {  	[smem:$0x3FBA] =	sst s0;
	s0 =	simm.s32 @!p2 $0x0  }
0x16: {  	s3 =	sld [smem:$0x3FDB];
	s0 =	simm.s32 @p2 $0x1  }
0x17: {  	s4 =	simm.s32 $0x1BF5;
	[smem:$0x3FBC] =	sst s0  }
0x18: {  	s0 =	sld [smem:$0x3F9F];
	_ =	swait.ge [sflag:s4], $0x0  }
0x19: {  	s7 =	sld [smem:$0x3FA0]  }
0x1a: {  	s8 =	sadd.s32 $0xFFFFE003, lr  }
0x1b: {  	s9 =	sadd.s32 $0xFFFFFEF7, lr;
	s5 =	simm.s32 $0xFFFFFFFF;
	p2 =	slt.u32 s8, $0xFFFFF086  }
0x1c: {  	p1 =	slt.u32 s9, $0xF7A;
	s5 =	simm.s32 @!p2 $0x0  }
0x1d: {  	s5 =	simm.s32 @p1 $0x1;
	p0 =	seq.s32 s7, s2  }
0x1e: {  	s7 =	smul.u32 @!p0 $0xF7A, s2;
	p2 =	seq.s32 @!p0 s5, $0x0  }
0x1f: {  	s9 =	smul.u32 $0xF7A, s1;
	s8 =	simm.s32 @!p0 $0x1BF5;
	p2 =	por !p2, p0  }
0x20: {  	[sflag:s8] =	ssyncset.s32 @!p0 $0xFFFFF086;
	s6 =	sadd.s32 @!p0 s3, s7;
	s7 =	simm.s32 @!p0 $0x108  }
0x21: {  	s3 =	sadd.s32 s3, s9;
	s6 =	sadd.s32 @!p0 $0x88, s6;
	s7 =	simm.s32 @p2 $0x1082  }
0x22: {  	[simem:s7], [sflag:s8] =	dma.local @!p0 [hbm:s6], $0xF7A  }
0x23: {  	s9 =	sor.u32 $0xD0000000, s2;
	s6 =	simm.s32 $0x108;
	_ =	swait.ge @!p0 [sflag:s8], $0x0  }
0x24: {  	s3 =	sadd.s32 $0x88, s3;
	s6 =	simm.s32 @!p1 $0x1082;
	[sflag:s4] =	ssyncset.s32 $0xFFFFF086  }
0x25: {  	[simem:s6], [sflag:s4] =	dma.local [hbm:s3], $0xF7A  }
0x26: {  	[smem:$0x3FA0] =	sst s1;
	(tag) =	ssettag s2;
	_ =	strace s9  }
0x27: {  	s1 =	sld [smem:$0x3FB0]  }
0x28: {  	s2 =	sld [smem:$0x3FB1]  }
0x29: {  	s4 =	sld [smem:$0x3FB3]  }
0x2a: {  	p0 =	seq.s32 s5, $0x0;
	s5 =	sld [smem:$0x3FB4]  }
0x2b: {  	s6 =	sld [smem:$0x3FB5]  }
0x2c: {  	s7 =	sld [smem:$0x3FB6]  }
0x2d: {  	s3 =	simm.s32 $0x108;
	s8 =	sld [smem:$0x3FB7]  }
0x2e: {  	s3 =	simm.s32 @!p0 $0x1082;
	s9 =	sld [smem:$0x3FB8]  }
0x2f: {  	lr =	sadd.s32 s0, s3;
	s0 =	sld [smem:$0x3FAF]  }
0x30: {  	s3 =	sld [smem:$0x3FB2]  }
0x31: {  	[smem:$0x3FBB] =	sst s10  }
0x32: {  	s10 =	sld [smem:$0x3FB9];
	_ =	sdelay $0x3  }
0x33: {  	p0 =	seq.s32 s10, $0x1;
	s10 =	sld [smem:$0x3FBB];
	_ =	sdelay $0x3  }
0x34: {  	[smem:$0x3FBB] =	sst s10  }
0x35: {  	s10 =	sld [smem:$0x3FBA];
	_ =	sdelay $0x3  }
0x36: {  	p1 =	seq.s32 s10, $0x1;
	s10 =	sld [smem:$0x3FBB];
	_ =	sdelay $0x3  }
0x37: {  	[smem:$0x3FBB] =	sst s10  }
0x38: {  	s10 =	sld [smem:$0x3FBC]  }
0x39: {  	_ = 	snop;
	(pc) =	sbr.ind lr, $3  }
0x3a: {  	_ = 	snop  }
0x3b: {  	_ = 	snop  }
0x3c: {  	p2 =	seq.s32 s10, $0x1;
	s10 =	sld [smem:$0x3FBB]  }
0x3d: {  	_ =	shalt  }
0x3e: {  	_ =	shalt  }
0x3f: {  	_ =	shalt  }
0x40: {  	_ =	shalt  }
0x41: {  	_ =	shalt  }
0x42: {  	_ =	shalt  }
0x43: {  	_ =	shalt  }
0x44: {  	_ =	shalt  }
0x45: {  	_ =	shalt  }
0x46: {  	_ =	shalt  }
0x47: {  	_ =	shalt  }
0x48: {  	_ =	shalt  }
0x49: {  	_ =	shalt  }
0x4a: {  	_ =	shalt  }
0x4b: {  	_ =	shalt  }
0x4c: {  	_ =	shalt  }
0x4d: {  	_ =	shalt  }
0x4e: {  	_ =	shalt  }
0x4f: {  	_ =	shalt  }
0x50: {  	_ =	shalt  }
0x51: {  	_ =	shalt  }
0x52: {  	_ =	shalt  }
0x53: {  	_ =	shalt  }
0x54: {  	_ =	shalt  }
0x55: {  	_ =	shalt  }
0x56: {  	_ =	shalt  }
0x57: {  	_ =	shalt  }
0x58: {  	_ =	shalt  }
0x59: {  	_ =	shalt  }
0x5a: {  	_ =	shalt  }
0x5b: {  	_ =	shalt  }
0x5c: {  	_ =	shalt  }
0x5d: {  	_ =	shalt  }
0x5e: {  	_ =	shalt  }
0x5f: {  	_ =	shalt  }
0x60: {  	_ =	shalt  }
0x61: {  	_ =	shalt  }
0x62: {  	_ =	shalt  }
0x63: {  	_ =	shalt  }
0x64: {  	_ =	shalt  }
0x65: {  	_ =	shalt  }
0x66: {  	_ =	shalt  }
0x67: {  	_ =	shalt  }
0x68: {  	_ =	shalt  }
0x69: {  	_ =	shalt  }
0x6a: {  	_ =	shalt  }
0x6b: {  	_ =	shalt  }
0x6c: {  	_ =	shalt  }
0x6d: {  	_ =	shalt  }
0x6e: {  	_ =	shalt  }
0x6f: {  	_ =	shalt  }
0x70: {  	_ =	shalt  }
0x71: {  	_ =	shalt  }
0x72: {  	_ =	shalt  }
0x73: {  	_ =	shalt  }
0x74: {  	_ =	shalt  }
0x75: {  	_ =	shalt  }
0x76: {  	_ =	shalt  }
0x77: {  	_ =	shalt  }
0x78: {  	_ =	shalt  }
0x79: {  	_ =	shalt  }
0x7a: {  	_ =	shalt  }
0x7b: {  	_ =	shalt  }
0x7c: {  	_ =	shalt  }
0x7d: {  	_ =	shalt  }
0x7e: {  	_ =	shalt  }
0x7f: {  	_ =	shalt  }
0x80: {  	_ =	shalt  }
0x81: {  	_ =	shalt  }
0x82: {  	_ =	shalt  }
0x83: {  	_ =	shalt  }
0x84: {  	_ =	shalt  }
0x85: {  	_ =	shalt  }
0x86: {  	_ =	shalt  }
0x87: {  	_ =	shalt  }
.Lfunc_end0:
.L_simem_size_0:
called_computation.1_lowered:
.L_overlay_start_0:
0x88: {  	s2 =	sld [smem:$0x3FD9]  }
0x89: {  	s3 =	sld [smem:$0x3FFE];
	_ =	sdelay $0x1  }
0x8a: {  	s1 =	srdreg.scid  }
0x8b: {  	s0 =	sand.u32 $0x1, s1  }
0x8c: {  	s17 =	sshll.u32 s0, $0xA;
	s2 =	sadd.s32 s3, s2  }
0x8d: {  	s2 =	sadd.s32 s2, s17  }
0x8e: {  	[smem:$0x3FC7] =	sst s2  }
0x8f: {  	_ = 	snop  }
0x90: {  	s2 =	sld [smem:$0x3FC9]  }
0x91: {  	s18 =	sld [smem:$0x3FD0];
	(tm) =	ssettm $0x1  }
0x92: {  	s4 =	sld [smem:$0x3FFB];
	_ =	sdelay $0x3  }
0x93: {  	_ =	strace s4  }
0x94: {  	s4 =	sld [smem:$0x3FFC];
	_ =	sdelay $0x3  }
0x95: {  	_ =	strace s4  }
0x96: {  	s4 =	sld [smem:$0x3FFD];
	_ =	sdelay $0x3  }
0x97: {  	_ =	strace s4  }
0x98: {  	_ =	strace $0x8FFFFFFF  }
0x99: {  	s19 =	sld [smem:$0x3FDB];
	_ =	sdelay $0x1  }
0x9a: {  	s5 =	simm.s32 $_scs_section_size  }
0x9b: {  	s6 =	simm.s32 $_size__tile_overlayer_lowered;
	s7 =	simm.s32 $_tile_overlayer_lowered  }
0x9c: {  	s22 =	simm.s32 $0x1BFF;
	s21 =	sshll.u32 s7, $0x1;
	s4 =	sadd.s32 s5, s19  }
0x9d: {  	s8 =	simm.s32 $0x0;
	s20 =	sshll.u32 s6, $0x1;
	s6 =	sadd.s32 s21, s4  }
0x9e: {  	[timem:s8], [sflag:s22] =	dma.local [hbm:s6], s20  }
0x9f: {  	_ =	swait.ge [sflag:s22], s20  }
0xa0: {  	s5 =	ssub.s32 $0x0, s20;
	[sflag:s22] =	ssyncset.done $0x0  }
0xa1: {  	[sflag:s22] =	ssyncadd.s32 s5;
	_ =	sdelay $0x1  }
0xa2: {  	s23 =	simm.s32 $0x1B8B  }
0xa3: {  	_ =	swait.ge [sflag:s23], $0x1  }
0xa4: {  	[sflag:s23] =	ssyncset.done $0x0  }
0xa5: {  	s25 =	simm.s32 $0x1B8E;
	s24 =	sld [smem:$0x3FFE];
	[sflag:s23] =	ssyncadd.s32 $0xFFFFFFFF  }
0xa6: {  	s26 =	simm.s32 $execute0_lowered;
	[smem:$0x3FD2] =	sst s25  }
0xa7: {  	s6 =	sshll.u32 s26, $0x1;
	_ =	strace $0x80000046;
	[dreg:$0x1] =	wrdreg $0xFFFFFFFF  }
0xa8: {  	s28 =	simm.s32 $_size_execute0_lowered;
	s4 =	sadd.s32 s4, s6;
	[dreg:$0x0] =	wrdreg $0x0  }
0xa9: {  	s6 =	sshll.u32 s28, $0x1;
	[dreg:$0x2] =	wrdreg s4  }
0xaa: {  	[dreg:$0x3] =	wrdreg s6  }
0xab: {  	[dreg:$0x4] =	wrdreg $0xC0  }
0xac: {  	_ =	task [dreg:s8], $0x5FFFF  }
0xad: {  	[dreg:$0x1] =	wrdreg $0xFFFFFFFF  }
0xae: {  	[dreg:$0x0] =	wrdreg $0x60  }
0xaf: {  	[dreg:$0x2] =	wrdreg s2  }
0xb0: {  	[dreg:$0x3] =	wrdreg s18  }
0xb1: {  	[dreg:$0x4] =	wrdreg s24  }
0xb2: {  	[dreg:$0x5] =	wrdreg $0x9  }
0xb3: {  	_ =	task.clear_ibuf [dreg:s8], $0x6FFFF;
	_ =	strace $0x90000046  }
0xb4: {  	s29 =	simm.s32 $0x9;
	_ =	strace $0x80000048  }
0xb5: {  	_ =	swait.ge [sflag:s29], $0x1  }
0xb6: {  	[sflag:s29] =	ssyncadd.s32 $0xFFFFFFFF  }
0xb7: {  	_ =	strace $0x90000048  }
0xb8: {  	_ =	sfence  }
0xb9: {  	s30 =	sld [smem:$0x0];
	_ =	sdelay $0x2  }
0xba: {  	s31 =	sshll.u32 s1, $0xD;
	s1 =	sshrl.u32 s1, $0x2  }
0xbb: {  	s3 =	sand.u32 $0x4000, s31;
	s1 =	sadd.s32 s1, s30  }
0xbc: {  	s0 =	sor.u32 s3, s0;
	s1 =	sshll.u32 s1, $0x11  }
0xbd: {  	s0 =	sor.u32 s1, s0  }
0xbe: {  	s0 =	sadd.s32 $0x8F2B, s0  }
0xbf: {  	[sflag:s0] =	ssyncadd.remote.s32 $0x1  }
0xc0: {  	_ =	sfence.sel $0xFFFF  }
0xc1: {  	[dreg:$0x0] =	wrdreg $0xFFFFFFFF;
	(pc) =	sbr.abs _section_cstart, $3  }
0xc2: {  	[dreg:$0x1] =	wrdreg $0xFFFFFFFF  }
0xc3: {  	_ =	task.clear_ibuf [dreg:s8], $0x2FFFF;
	_ =	strace $0x9FFFFFFF  }
0xc4: {  	(tm) =	ssettm $0x7FFFFFFF  }
0xc5: {  	_ =	shalt  }
tec
execute0_lowered:
.L_overlay_start_1:
0x0: {  	(tag) =	ssettag $0x1  }
0x1: {  	s4 =	rddreg [dreg:$0x0]  }
0x2: {  	s2 =	rddreg [dreg:$0x1]  }
0x3: {  	s5 =	rddreg [dreg:$0x2]  }
0x4: {  	s0 =	rddreg [dreg:$0x3];
	s3 =	simm.s32 $0x0;
	s1 =	stileid.u32  }
0x5: {  	v0 =	vlaneseq.u32;
	s7 =	srdreg.scid;
	s11 =	simm.s32 $0x2;
	s12 =	simm.s32 $0x0  }
0x6: {  	[smem:$0x7FF] =	sst s3;
	s6 =	sshll.u32 s1, $0x13;
	v0 =	vmul.u32 $0x80, v0;
	s31 =	sand.u32 $0x1, s7  }
0x7: {  	v1 =	vimm.f32 $1.000000000e+00;
	v17 =	vimm.f32 $0.0e+00;
	s8 =	sshll.u32 s1, $0xF;
	_ =	strace $0x80000047;
	s5 =	sadd.s32 s6, s5  }
0x8: {  	s7 =	ssub.s32 $0x2, s31;
	s9 =	sshll.u32 s31, $0xE;
	s6 =	sshll.u32 s31, $0x12;
	v2 =	vor.u32 $0x800, v0;
	v3 =	vor.u32 $0x1000, v0;
	v4 =	vor.u32 $0x1800, v0  }
0x9: {  	s10 =	sshrl.u32 s7, $0x1;
	s8 =	sor.u32 s9, s8;
	v5 =	vor.u32 $0x2000, v0;
	s6 =	sadd.s32 s6, s5;
	v6 =	vor.u32 $0x2800, v0;
	v7 =	vor.u32 $0x3000, v0  }
0xa: {  	v8 =	vor.u32 $0x3800, v0;
	v9 =	vor.u32 $0x4000, v0;
	v10 =	vor.u32 $0x4800, v0;
	s9 =	simm.s32 $0x3;
	s7 =	ssub.s32 s7, s10;
	s8 =	sshrl.u32 s8, $0x3  }
0xb: {  	v11 =	vor.u32 $0x5000, v0;
	v12 =	vor.u32 $0x5800, v0;
	v13 =	vor.u32 $0x6000, v0;
	s6 =	sadd.s32 $0x800, s6;
	s10 =	simm.s32 $0x1;
	s4 =	sadd.s32 s4, s8  }
0xc: {  	v14 =	vor.u32 $0x6800, v0;
	v15 =	vor.u32 $0x7000, v0;
	v16 =	vor.u32 $0x7800, v0;
	s5 =	smax.u32 s7, $0x1;
	s7 =	simm.s32 $0x4000;
	s8 =	simm.s32 $0xC000  }
.LBB2_1:
0xd: {  	[tilespmem:s7], [sflag:$0x1] =	stream.linear.gather [hbm4b:s2+s3], $0x8000, $0x38;
	[tilespmem:$0x14000] =	vst v63  }
0xe: {  	_ = 	snop  }
0xf: {  	[tilespmem:s8], [sflag:$0x2] =	stream.linear.gather [hbm4b:s2+s3], $0x8000, $0x38;
	[tilespmem:$0x14000] =	vst v63  }
0x10: {  	_ = 	snop  }
0x11: {  	[tilespmem:s3], [sflag:$0x3] =	stream.linear.gather [hbm4b:s4+s3], $0x4000, $0x38;
	[tilespmem:$0x14000] =	vst v63  }
0x12: {  	_ =	swait.ge [sflag:s9], $0x4000  }
0x13: {  	[sflag:s9] =	ssyncset.done $0x0  }
0x14: {  	[sflag:s9] =	ssyncadd.s32 $0xFFFFC000  }
0x15: {  	_ =	swait.ge [sflag:s10], $0x8000  }
0x16: {  	[sflag:s10] =	ssyncset.done $0x0  }
0x17: {  	[sflag:s10] =	ssyncadd.s32 $0xFFFF8000  }
0x18: {  	_ =	swait.ge [sflag:s11], $0x8000  }
0x19: {  	[sflag:s11] =	ssyncset.done $0x0  }
0x1a: {  	s13 =	simm.s32 $0x0;
	s14 =	simm.s32 $0x0;
	[sflag:s11] =	ssyncadd.s32 $0xFFFF8000  }
.LBB2_2:
0x1b: {  	p0 =	seq.s32 s14, $0x0  }
0x1c: {  	_ =	swait.ge @!p0 [sflag:s10], $0x8000  }
0x1d: {  	[sflag:s10] =	ssyncset.done @!p0 $0x0  }
0x1e: {  	[sflag:s10] =	ssyncadd.s32 @!p0 $0xFFFF8000  }
0x1f: {  	v18 =	vld @!p0 [tilespmem:s13+$0xFFFFFE00];
	_ =	sdelay $0x4  }
0x20: {  	v18 =	vadd.s32 @!p0 v0, v18;
	_ =	sdelay $0x4  }
0x21: {  	[tilespmem:v18+s7+$0x0] =	vst.idx.msk @!p0 $0xffff, v17  }
0x22: {  	v18 =	vld @!p0 [tilespmem:s13+$0xFFFFFE10];
	_ =	sdelay $0x4  }
0x23: {  	v18 =	vadd.s32 @!p0 v2, v18;
	_ =	sdelay $0x4  }
0x24: {  	[tilespmem:v18+s7+$0x0] =	vst.idx.msk @!p0 $0xffff, v17  }
0x25: {  	v18 =	vld @!p0 [tilespmem:s13+$0xFFFFFE20];
	_ =	sdelay $0x4  }
0x26: {  	v18 =	vadd.s32 @!p0 v3, v18;
	_ =	sdelay $0x4  }
0x27: {  	[tilespmem:v18+s7+$0x0] =	vst.idx.msk @!p0 $0xffff, v17  }
0x28: {  	v18 =	vld @!p0 [tilespmem:s13+$0xFFFFFE30];
	_ =	sdelay $0x4  }
0x29: {  	v18 =	vadd.s32 @!p0 v4, v18;
	_ =	sdelay $0x4  }
0x2a: {  	[tilespmem:v18+s7+$0x0] =	vst.idx.msk @!p0 $0xffff, v17  }
0x2b: {  	v18 =	vld @!p0 [tilespmem:s13+$0xFFFFFE40];
	_ =	sdelay $0x4  }
0x2c: {  	v18 =	vadd.s32 @!p0 v5, v18;
	_ =	sdelay $0x4  }
0x2d: {  	[tilespmem:v18+s7+$0x0] =	vst.idx.msk @!p0 $0xffff, v17  }
0x2e: {  	v18 =	vld @!p0 [tilespmem:s13+$0xFFFFFE50];
	_ =	sdelay $0x4  }
0x2f: {  	v18 =	vadd.s32 @!p0 v6, v18;
	_ =	sdelay $0x4  }
0x30: {  	[tilespmem:v18+s7+$0x0] =	vst.idx.msk @!p0 $0xffff, v17  }
0x31: {  	v18 =	vld @!p0 [tilespmem:s13+$0xFFFFFE60];
	_ =	sdelay $0x4  }
0x32: {  	v18 =	vadd.s32 @!p0 v7, v18;
	_ =	sdelay $0x4  }
0x33: {  	[tilespmem:v18+s7+$0x0] =	vst.idx.msk @!p0 $0xffff, v17  }
0x34: {  	v18 =	vld @!p0 [tilespmem:s13+$0xFFFFFE70];
	_ =	sdelay $0x4  }
0x35: {  	v18 =	vadd.s32 @!p0 v8, v18;
	_ =	sdelay $0x4  }
0x36: {  	[tilespmem:v18+s7+$0x0] =	vst.idx.msk @!p0 $0xffff, v17  }
0x37: {  	v18 =	vld @!p0 [tilespmem:s13+$0xFFFFFE80];
	_ =	sdelay $0x4  }
0x38: {  	v18 =	vadd.s32 @!p0 v9, v18;
	_ =	sdelay $0x4  }
0x39: {  	[tilespmem:v18+s7+$0x0] =	vst.idx.msk @!p0 $0xffff, v17  }
0x3a: {  	v18 =	vld @!p0 [tilespmem:s13+$0xFFFFFE90];
	_ =	sdelay $0x4  }
0x3b: {  	v18 =	vadd.s32 @!p0 v10, v18;
	_ =	sdelay $0x4  }
0x3c: {  	[tilespmem:v18+s7+$0x0] =	vst.idx.msk @!p0 $0xffff, v17  }
0x3d: {  	v18 =	vld @!p0 [tilespmem:s13+$0xFFFFFEA0];
	_ =	sdelay $0x4  }
0x3e: {  	v18 =	vadd.s32 @!p0 v11, v18;
	_ =	sdelay $0x4  }
0x3f: {  	[tilespmem:v18+s7+$0x0] =	vst.idx.msk @!p0 $0xffff, v17  }
0x40: {  	v18 =	vld @!p0 [tilespmem:s13+$0xFFFFFEB0];
	_ =	sdelay $0x4  }
0x41: {  	v18 =	vadd.s32 @!p0 v12, v18;
	_ =	sdelay $0x4  }
0x42: {  	[tilespmem:v18+s7+$0x0] =	vst.idx.msk @!p0 $0xffff, v17  }
0x43: {  	v18 =	vld @!p0 [tilespmem:s13+$0xFFFFFEC0];
	_ =	sdelay $0x4  }
0x44: {  	v18 =	vadd.s32 @!p0 v13, v18;
	_ =	sdelay $0x4  }
0x45: {  	[tilespmem:v18+s7+$0x0] =	vst.idx.msk @!p0 $0xffff, v17  }
0x46: {  	v18 =	vld @!p0 [tilespmem:s13+$0xFFFFFED0];
	_ =	sdelay $0x4  }
0x47: {  	v18 =	vadd.s32 @!p0 v14, v18;
	_ =	sdelay $0x4  }
0x48: {  	[tilespmem:v18+s7+$0x0] =	vst.idx.msk @!p0 $0xffff, v17  }
0x49: {  	v18 =	vld @!p0 [tilespmem:s13+$0xFFFFFEE0];
	_ =	sdelay $0x4  }
0x4a: {  	v18 =	vadd.s32 @!p0 v15, v18;
	_ =	sdelay $0x4  }
0x4b: {  	[tilespmem:v18+s7+$0x0] =	vst.idx.msk @!p0 $0xffff, v17  }
0x4c: {  	v18 =	vld @!p0 [tilespmem:s13+$0xFFFFFEF0];
	_ =	sdelay $0x4  }
0x4d: {  	v18 =	vadd.s32 @!p0 v16, v18;
	_ =	sdelay $0x4  }
0x4e: {  	[tilespmem:v18+s7+$0x0] =	vst.idx.msk @!p0 $0xffff, v17  }
0x4f: {  	v18 =	vld [tilespmem:s13+$0x0];
	_ =	sdelay $0x4  }
0x50: {  	v18 =	vadd.s32 v0, v18;
	_ =	sdelay $0x4  }
0x51: {  	[tilespmem:v18+s7+$0x0] =	vst.idx.msk $0xffff, v1  }
0x52: {  	v18 =	vld [tilespmem:s13+$0x10];
	_ =	sdelay $0x4  }
0x53: {  	v18 =	vadd.s32 v2, v18;
	_ =	sdelay $0x4  }
0x54: {  	[tilespmem:v18+s7+$0x0] =	vst.idx.msk $0xffff, v1  }
0x55: {  	v18 =	vld [tilespmem:s13+$0x20];
	_ =	sdelay $0x4  }
0x56: {  	v18 =	vadd.s32 v3, v18;
	_ =	sdelay $0x4  }
0x57: {  	[tilespmem:v18+s7+$0x0] =	vst.idx.msk $0xffff, v1  }
0x58: {  	v18 =	vld [tilespmem:s13+$0x30];
	_ =	sdelay $0x4  }
0x59: {  	v18 =	vadd.s32 v4, v18;
	_ =	sdelay $0x4  }
0x5a: {  	[tilespmem:v18+s7+$0x0] =	vst.idx.msk $0xffff, v1  }
0x5b: {  	v18 =	vld [tilespmem:s13+$0x40];
	_ =	sdelay $0x4  }
0x5c: {  	v18 =	vadd.s32 v5, v18;
	_ =	sdelay $0x4  }
0x5d: {  	[tilespmem:v18+s7+$0x0] =	vst.idx.msk $0xffff, v1  }
0x5e: {  	v18 =	vld [tilespmem:s13+$0x50];
	_ =	sdelay $0x4  }
0x5f: {  	v18 =	vadd.s32 v6, v18;
	_ =	sdelay $0x4  }
0x60: {  	[tilespmem:v18+s7+$0x0] =	vst.idx.msk $0xffff, v1  }
0x61: {  	v18 =	vld [tilespmem:s13+$0x60];
	_ =	sdelay $0x4  }
0x62: {  	v18 =	vadd.s32 v7, v18;
	_ =	sdelay $0x4  }
0x63: {  	[tilespmem:v18+s7+$0x0] =	vst.idx.msk $0xffff, v1  }
0x64: {  	v18 =	vld [tilespmem:s13+$0x70];
	_ =	sdelay $0x4  }
0x65: {  	v18 =	vadd.s32 v8, v18;
	_ =	sdelay $0x4  }
0x66: {  	[tilespmem:v18+s7+$0x0] =	vst.idx.msk $0xffff, v1  }
0x67: {  	v18 =	vld [tilespmem:s13+$0x80];
	_ =	sdelay $0x4  }
0x68: {  	v18 =	vadd.s32 v9, v18;
	_ =	sdelay $0x4  }
0x69: {  	[tilespmem:v18+s7+$0x0] =	vst.idx.msk $0xffff, v1  }
0x6a: {  	v18 =	vld [tilespmem:s13+$0x90];
	_ =	sdelay $0x4  }
0x6b: {  	v18 =	vadd.s32 v10, v18;
	_ =	sdelay $0x4  }
0x6c: {  	[tilespmem:v18+s7+$0x0] =	vst.idx.msk $0xffff, v1  }
0x6d: {  	v18 =	vld [tilespmem:s13+$0xA0];
	_ =	sdelay $0x4  }
0x6e: {  	v18 =	vadd.s32 v11, v18;
	_ =	sdelay $0x4  }
0x6f: {  	[tilespmem:v18+s7+$0x0] =	vst.idx.msk $0xffff, v1  }
0x70: {  	v18 =	vld [tilespmem:s13+$0xB0];
	_ =	sdelay $0x4  }
0x71: {  	v18 =	vadd.s32 v12, v18;
	_ =	sdelay $0x4  }
0x72: {  	[tilespmem:v18+s7+$0x0] =	vst.idx.msk $0xffff, v1  }
0x73: {  	v18 =	vld [tilespmem:s13+$0xC0];
	_ =	sdelay $0x4  }
0x74: {  	v18 =	vadd.s32 v13, v18;
	_ =	sdelay $0x4  }
0x75: {  	[tilespmem:v18+s7+$0x0] =	vst.idx.msk $0xffff, v1  }
0x76: {  	v18 =	vld [tilespmem:s13+$0xD0];
	_ =	sdelay $0x4  }
0x77: {  	v18 =	vadd.s32 v14, v18;
	_ =	sdelay $0x4  }
0x78: {  	[tilespmem:v18+s7+$0x0] =	vst.idx.msk $0xffff, v1  }
0x79: {  	v18 =	vld [tilespmem:s13+$0xE0];
	_ =	sdelay $0x4  }
0x7a: {  	v18 =	vadd.s32 v15, v18;
	_ =	sdelay $0x4  }
0x7b: {  	[tilespmem:v18+s7+$0x0] =	vst.idx.msk $0xffff, v1  }
0x7c: {  	v18 =	vld [tilespmem:s13+$0xF0];
	_ =	sdelay $0x4  }
0x7d: {  	v18 =	vadd.s32 v16, v18;
	_ =	sdelay $0x4  }
0x7e: {  	s15 =	sadd.s32 s14, s6;
	[tilespmem:v18+s7+$0x0] =	vst.idx.msk $0xffff, v1  }
0x7f: {  	[hbm4b:s15+s3] =	stream.linear.scatter [tilespmem:s7], [sflag:$0x1], $0x8000, $0x38;
	[tilespmem:$0x14000] =	vst v63  }
0x80: {  	_ =	swait.ge @!p0 [sflag:s11], $0x8000  }
0x81: {  	[sflag:s11] =	ssyncset.done @!p0 $0x0  }
0x82: {  	[sflag:s11] =	ssyncadd.s32 @!p0 $0xFFFF8000  }
0x83: {  	v18 =	vld @!p0 [tilespmem:s13+$0xFFFFFF00];
	_ =	sdelay $0x4  }
0x84: {  	v18 =	vadd.s32 @!p0 v0, v18;
	_ =	sdelay $0x4  }
0x85: {  	[tilespmem:v18+s8+$0x0] =	vst.idx.msk @!p0 $0xffff, v17  }
0x86: {  	v18 =	vld @!p0 [tilespmem:s13+$0xFFFFFF10];
	_ =	sdelay $0x4  }
0x87: {  	v18 =	vadd.s32 @!p0 v2, v18;
	_ =	sdelay $0x4  }
0x88: {  	[tilespmem:v18+s8+$0x0] =	vst.idx.msk @!p0 $0xffff, v17  }
0x89: {  	v18 =	vld @!p0 [tilespmem:s13+$0xFFFFFF20];
	_ =	sdelay $0x4  }
0x8a: {  	v18 =	vadd.s32 @!p0 v3, v18;
	_ =	sdelay $0x4  }
0x8b: {  	[tilespmem:v18+s8+$0x0] =	vst.idx.msk @!p0 $0xffff, v17  }
0x8c: {  	v18 =	vld @!p0 [tilespmem:s13+$0xFFFFFF30];
	_ =	sdelay $0x4  }
0x8d: {  	v18 =	vadd.s32 @!p0 v4, v18;
	_ =	sdelay $0x4  }
0x8e: {  	[tilespmem:v18+s8+$0x0] =	vst.idx.msk @!p0 $0xffff, v17  }
0x8f: {  	v18 =	vld @!p0 [tilespmem:s13+$0xFFFFFF40];
	_ =	sdelay $0x4  }
0x90: {  	v18 =	vadd.s32 @!p0 v5, v18;
	_ =	sdelay $0x4  }
0x91: {  	[tilespmem:v18+s8+$0x0] =	vst.idx.msk @!p0 $0xffff, v17  }
0x92: {  	v18 =	vld @!p0 [tilespmem:s13+$0xFFFFFF50];
	_ =	sdelay $0x4  }
0x93: {  	v18 =	vadd.s32 @!p0 v6, v18;
	_ =	sdelay $0x4  }
0x94: {  	[tilespmem:v18+s8+$0x0] =	vst.idx.msk @!p0 $0xffff, v17  }
0x95: {  	v18 =	vld @!p0 [tilespmem:s13+$0xFFFFFF60];
	_ =	sdelay $0x4  }
0x96: {  	v18 =	vadd.s32 @!p0 v7, v18;
	_ =	sdelay $0x4  }
0x97: {  	[tilespmem:v18+s8+$0x0] =	vst.idx.msk @!p0 $0xffff, v17  }
0x98: {  	v18 =	vld @!p0 [tilespmem:s13+$0xFFFFFF70];
	_ =	sdelay $0x4  }
0x99: {  	v18 =	vadd.s32 @!p0 v8, v18;
	_ =	sdelay $0x4  }
0x9a: {  	[tilespmem:v18+s8+$0x0] =	vst.idx.msk @!p0 $0xffff, v17  }
0x9b: {  	v18 =	vld @!p0 [tilespmem:s13+$0xFFFFFF80];
	_ =	sdelay $0x4  }
0x9c: {  	v18 =	vadd.s32 @!p0 v9, v18;
	_ =	sdelay $0x4  }
0x9d: {  	[tilespmem:v18+s8+$0x0] =	vst.idx.msk @!p0 $0xffff, v17  }
0x9e: {  	v18 =	vld @!p0 [tilespmem:s13+$0xFFFFFF90];
	_ =	sdelay $0x4  }
0x9f: {  	v18 =	vadd.s32 @!p0 v10, v18;
	_ =	sdelay $0x4  }
0xa0: {  	[tilespmem:v18+s8+$0x0] =	vst.idx.msk @!p0 $0xffff, v17  }
0xa1: {  	v18 =	vld @!p0 [tilespmem:s13+$0xFFFFFFA0];
	_ =	sdelay $0x4  }
0xa2: {  	v18 =	vadd.s32 @!p0 v11, v18;
	_ =	sdelay $0x4  }
0xa3: {  	[tilespmem:v18+s8+$0x0] =	vst.idx.msk @!p0 $0xffff, v17  }
0xa4: {  	v18 =	vld @!p0 [tilespmem:s13+$0xFFFFFFB0];
	_ =	sdelay $0x4  }
0xa5: {  	v18 =	vadd.s32 @!p0 v12, v18;
	_ =	sdelay $0x4  }
0xa6: {  	[tilespmem:v18+s8+$0x0] =	vst.idx.msk @!p0 $0xffff, v17  }
0xa7: {  	v18 =	vld @!p0 [tilespmem:s13+$0xFFFFFFC0];
	_ =	sdelay $0x4  }
0xa8: {  	v18 =	vadd.s32 @!p0 v13, v18;
	_ =	sdelay $0x4  }
0xa9: {  	[tilespmem:v18+s8+$0x0] =	vst.idx.msk @!p0 $0xffff, v17  }
0xaa: {  	v18 =	vld @!p0 [tilespmem:s13+$0xFFFFFFD0];
	_ =	sdelay $0x4  }
0xab: {  	v18 =	vadd.s32 @!p0 v14, v18;
	_ =	sdelay $0x4  }
0xac: {  	[tilespmem:v18+s8+$0x0] =	vst.idx.msk @!p0 $0xffff, v17  }
0xad: {  	v18 =	vld @!p0 [tilespmem:s13+$0xFFFFFFE0];
	_ =	sdelay $0x4  }
0xae: {  	v18 =	vadd.s32 @!p0 v15, v18;
	_ =	sdelay $0x4  }
0xaf: {  	[tilespmem:v18+s8+$0x0] =	vst.idx.msk @!p0 $0xffff, v17  }
0xb0: {  	v18 =	vld @!p0 [tilespmem:s13+$0xFFFFFFF0];
	_ =	sdelay $0x4  }
0xb1: {  	v18 =	vadd.s32 @!p0 v16, v18;
	_ =	sdelay $0x4  }
0xb2: {  	[tilespmem:v18+s8+$0x0] =	vst.idx.msk @!p0 $0xffff, v17  }
0xb3: {  	v18 =	vld [tilespmem:s13+$0x100];
	_ =	sdelay $0x4  }
0xb4: {  	v18 =	vadd.s32 v0, v18;
	_ =	sdelay $0x4  }
0xb5: {  	[tilespmem:v18+s8+$0x0] =	vst.idx.msk $0xffff, v1  }
0xb6: {  	v18 =	vld [tilespmem:s13+$0x110];
	_ =	sdelay $0x4  }
0xb7: {  	v18 =	vadd.s32 v2, v18;
	_ =	sdelay $0x4  }
0xb8: {  	[tilespmem:v18+s8+$0x0] =	vst.idx.msk $0xffff, v1  }
0xb9: {  	v18 =	vld [tilespmem:s13+$0x120];
	_ =	sdelay $0x4  }
0xba: {  	v18 =	vadd.s32 v3, v18;
	_ =	sdelay $0x4  }
0xbb: {  	[tilespmem:v18+s8+$0x0] =	vst.idx.msk $0xffff, v1  }
0xbc: {  	v18 =	vld [tilespmem:s13+$0x130];
	_ =	sdelay $0x4  }
0xbd: {  	v18 =	vadd.s32 v4, v18;
	_ =	sdelay $0x4  }
0xbe: {  	[tilespmem:v18+s8+$0x0] =	vst.idx.msk $0xffff, v1  }
0xbf: {  	v18 =	vld [tilespmem:s13+$0x140];
	_ =	sdelay $0x4  }
0xc0: {  	v18 =	vadd.s32 v5, v18;
	_ =	sdelay $0x4  }
0xc1: {  	[tilespmem:v18+s8+$0x0] =	vst.idx.msk $0xffff, v1  }
0xc2: {  	v18 =	vld [tilespmem:s13+$0x150];
	_ =	sdelay $0x4  }
0xc3: {  	v18 =	vadd.s32 v6, v18;
	_ =	sdelay $0x4  }
0xc4: {  	[tilespmem:v18+s8+$0x0] =	vst.idx.msk $0xffff, v1  }
0xc5: {  	v18 =	vld [tilespmem:s13+$0x160];
	_ =	sdelay $0x4  }
0xc6: {  	v18 =	vadd.s32 v7, v18;
	_ =	sdelay $0x4  }
0xc7: {  	[tilespmem:v18+s8+$0x0] =	vst.idx.msk $0xffff, v1  }
0xc8: {  	v18 =	vld [tilespmem:s13+$0x170];
	_ =	sdelay $0x4  }
0xc9: {  	v18 =	vadd.s32 v8, v18;
	_ =	sdelay $0x4  }
0xca: {  	[tilespmem:v18+s8+$0x0] =	vst.idx.msk $0xffff, v1  }
0xcb: {  	v18 =	vld [tilespmem:s13+$0x180];
	_ =	sdelay $0x4  }
0xcc: {  	v18 =	vadd.s32 v9, v18;
	_ =	sdelay $0x4  }
0xcd: {  	[tilespmem:v18+s8+$0x0] =	vst.idx.msk $0xffff, v1  }
0xce: {  	v18 =	vld [tilespmem:s13+$0x190];
	_ =	sdelay $0x4  }
0xcf: {  	v18 =	vadd.s32 v10, v18;
	_ =	sdelay $0x4  }
0xd0: {  	[tilespmem:v18+s8+$0x0] =	vst.idx.msk $0xffff, v1  }
0xd1: {  	v18 =	vld [tilespmem:s13+$0x1A0];
	_ =	sdelay $0x4  }
0xd2: {  	v18 =	vadd.s32 v11, v18;
	_ =	sdelay $0x4  }
0xd3: {  	[tilespmem:v18+s8+$0x0] =	vst.idx.msk $0xffff, v1  }
0xd4: {  	v18 =	vld [tilespmem:s13+$0x1B0];
	_ =	sdelay $0x4  }
0xd5: {  	v18 =	vadd.s32 v12, v18;
	_ =	sdelay $0x4  }
0xd6: {  	[tilespmem:v18+s8+$0x0] =	vst.idx.msk $0xffff, v1  }
0xd7: {  	v18 =	vld [tilespmem:s13+$0x1C0];
	_ =	sdelay $0x4  }
0xd8: {  	v18 =	vadd.s32 v13, v18;
	_ =	sdelay $0x4  }
0xd9: {  	[tilespmem:v18+s8+$0x0] =	vst.idx.msk $0xffff, v1  }
0xda: {  	v18 =	vld [tilespmem:s13+$0x1D0];
	_ =	sdelay $0x4  }
0xdb: {  	v18 =	vadd.s32 v14, v18;
	_ =	sdelay $0x4  }
0xdc: {  	[tilespmem:v18+s8+$0x0] =	vst.idx.msk $0xffff, v1  }
0xdd: {  	v18 =	vld [tilespmem:s13+$0x1E0];
	_ =	sdelay $0x4  }
0xde: {  	v18 =	vadd.s32 v15, v18;
	_ =	sdelay $0x4  }
0xdf: {  	[tilespmem:v18+s8+$0x0] =	vst.idx.msk $0xffff, v1  }
0xe0: {  	v18 =	vld [tilespmem:s13+$0x1F0];
	_ =	sdelay $0x4  }
0xe1: {  	s14 =	sadd.s32 $0x2000, s14;
	v18 =	vadd.s32 v16, v18  }
0xe2: {  	p0 =	sne.s32 s14, $0x40000  }
.Ltmp0:
0xe3: {  	_ = 	snop;
	(pc) =	sbr.rel @p0 .LBB2_2-.Ltmp0, $3  }
0xe4: {  	_ =	sdelay $0x1  }
0xe5: {  	s15 =	sadd.s32 $0x1000, s15;
	s13 =	sadd.s32 $0x200, s13;
	[tilespmem:v18+s8+$0x0] =	vst.idx.msk $0xffff, v1  }
0xe6: {  	[hbm4b:s15+s3] =	stream.linear.scatter [tilespmem:s8], [sflag:$0x2], $0x8000, $0x38;
	[tilespmem:$0x14000] =	vst v63  }
0xe7: {  	s12 =	sadd.s32 $0x1, s12  }
0xe8: {  	_ =	swait.ge [sflag:s10], $0x8000;
	p0 =	sne.s32 s12, s5  }
.Ltmp1:
0xe9: {  	[sflag:s10] =	ssyncset.done $0x0;
	(pc) =	sbr.rel @p0 .LBB2_1-.Ltmp1, $4  }
0xea: {  	[sflag:s10] =	ssyncadd.s32 $0xFFFF8000  }
0xeb: {  	_ =	swait.ge [sflag:s11], $0x8000  }
0xec: {  	[sflag:s11] =	ssyncset.done $0x0  }
0xed: {  	[sflag:s11] =	ssyncadd.s32 $0xFFFF8000  }
0xee: {  	_ =	sfence.sel $0x180000  }
0xef: {  	[bflag:$0x0] =	sbarrier.arrive $0xFFFF  }
0xf0: {  	p0 =	sne.s32 s1, $0x0;
	_ =	strace $0x90000047  }
0xf1: {  	s0 =	sadd.s32 @!p0 $0x100000, s0;
	[bflag:$0x2] =	sbarrier.arrive $0xFFFF  }
0xf2: {  	[sflag:s0] =	ssyncadd.tile.s32 @!p0 $0x1;
	_ =	shalt  }
.Lfunc_end2:
_tile_overlayer_lowered:
.L_overlay_start_2:
0xf3: {  	(tag) =	ssettag $0x2  }
0xf4: {  	s0 =	rddreg [dreg:$0x0];
	s2 =	stileid.u32  }
0xf5: {  	s1 =	rddreg [dreg:$0x1];
	p0 =	sne.s32 s2, $0x0  }
0xf6: {  	s3 =	rddreg [dreg:$0x2];
	[bflag:$0x3] =	sbarrier.arrive $0xFFFF;
	s2 =	simm.s32 @!p0 $0x1C03  }
0xf7: {  	[timem:s3], [sflag:s2] =	dma.local @!p0 [hbm:s0], s1  }
0xf8: {  	s0 =	simm.s32 @!p0 $0x3  }
0xf9: {  	_ =	swait.ge @!p0 [sflag:s0], s1  }
0xfa: {  	s1 =	ssub.s32 @!p0 $0x0, s1;
	[sflag:s0] =	ssyncset.done @!p0 $0x0  }
0xfb: {  	[sflag:s0] =	ssyncadd.s32 @!p0 s1  }
0xfc: {  	[bflag:$0x3] =	sbarrier.arrive $0xFFFF  }
0xfd: {  	_ =	shalt  }

// kernel: sparse-core-data-format-call.cloned.1.call-start
scs
called_computation_lowered:
.L_overlay_start_0:
0x0: {  	s2 =	sld [smem:$0x3FD9]  }
0x1: {  	s3 =	sld [smem:$0x3FFE];
	_ =	sdelay $0x1  }
0x2: {  	s1 =	srdreg.scid  }
0x3: {  	s0 =	sand.u32 $0x1, s1  }
0x4: {  	s18 =	sshll.u32 s0, $0xA;
	s2 =	sadd.s32 s3, s2  }
0x5: {  	s2 =	sadd.s32 s2, s18  }
0x6: {  	[smem:$0x3FC7] =	sst s2  }
0x7: {  	_ = 	snop  }
0x8: {  	s2 =	sld [smem:$0x3FD0];
	(tm) =	ssettm $0x1  }
0x9: {  	s19 =	sld [smem:$0x3FFB];
	_ =	sdelay $0x3  }
0xa: {  	_ =	strace s19  }
0xb: {  	s3 =	sld [smem:$0x3FFC];
	_ =	sdelay $0x3  }
0xc: {  	_ =	strace s3  }
0xd: {  	s3 =	sld [smem:$0x3FFD];
	_ =	sdelay $0x3  }
0xe: {  	_ =	strace s3  }
0xf: {  	_ =	strace $0x8FFFFFFF  }
0x10: {  	s20 =	sld [smem:$0x3FDB];
	_ =	sdelay $0x1  }
0x11: {  	s4 =	simm.s32 $_scs_section_size  }
0x12: {  	s5 =	simm.s32 $_size__tile_overlayer_lowered;
	s6 =	simm.s32 $_tile_overlayer_lowered  }
0x13: {  	s23 =	simm.s32 $0x1BFF;
	s22 =	sshll.u32 s6, $0x1;
	s3 =	sadd.s32 s4, s20  }
0x14: {  	s7 =	simm.s32 $0x0;
	s21 =	sshll.u32 s5, $0x1;
	s5 =	sadd.s32 s22, s3  }
0x15: {  	[timem:s7], [sflag:s23] =	dma.local [hbm:s5], s21  }
0x16: {  	_ =	swait.ge [sflag:s23], s21  }
0x17: {  	s4 =	ssub.s32 $0x0, s21;
	[sflag:s23] =	ssyncset.done $0x0  }
0x18: {  	[sflag:s23] =	ssyncadd.s32 s4;
	_ =	sdelay $0x1  }
0x19: {  	s24 =	simm.s32 $0x1B8B  }
0x1a: {  	_ =	swait.ge [sflag:s24], $0x1  }
0x1b: {  	[sflag:s24] =	ssyncset.done $0x0  }
0x1c: {  	s26 =	simm.s32 $0x1B8E;
	s25 =	sld [smem:$0x3FFE];
	[sflag:s24] =	ssyncadd.s32 $0xFFFFFFFF  }
0x1d: {  	s27 =	simm.s32 $execute0_lowered;
	[smem:$0x3FD2] =	sst s26  }
0x1e: {  	s5 =	sshll.u32 s27, $0x1;
	_ =	strace $0x80000049;
	[dreg:$0x1] =	wrdreg $0xFFFFFFFF  }
0x1f: {  	s28 =	simm.s32 $_size_execute0_lowered;
	s3 =	sadd.s32 s3, s5;
	[dreg:$0x0] =	wrdreg $0x0  }
0x20: {  	s5 =	sshll.u32 s28, $0x1;
	[dreg:$0x2] =	wrdreg s3  }
0x21: {  	[dreg:$0x3] =	wrdreg s5  }
0x22: {  	[dreg:$0x4] =	wrdreg $0xC0  }
0x23: {  	_ =	task [dreg:s7], $0x5FFFF  }
0x24: {  	[dreg:$0x1] =	wrdreg $0xFFFFFFFF  }
0x25: {  	[dreg:$0x0] =	wrdreg $0x60  }
0x26: {  	[dreg:$0x2] =	wrdreg s25  }
0x27: {  	[dreg:$0x3] =	wrdreg s2  }
0x28: {  	[dreg:$0x4] =	wrdreg $0x9  }
0x29: {  	_ =	task.clear_ibuf [dreg:s7], $0x5FFFF;
	_ =	strace $0x90000049  }
0x2a: {  	s29 =	simm.s32 $0x9;
	_ =	strace $0x8000004B  }
0x2b: {  	_ =	swait.ge [sflag:s29], $0x1  }
0x2c: {  	[sflag:s29] =	ssyncadd.s32 $0xFFFFFFFF  }
0x2d: {  	_ =	strace $0x9000004B  }
0x2e: {  	_ =	sfence  }
0x2f: {  	s30 =	sld [smem:$0x0];
	_ =	sdelay $0x2  }
0x30: {  	s31 =	sshll.u32 s1, $0xD;
	s1 =	sshrl.u32 s1, $0x2  }
0x31: {  	s3 =	sand.u32 $0x4000, s31;
	s1 =	sadd.s32 s1, s30  }
0x32: {  	s0 =	sor.u32 s3, s0;
	s1 =	sshll.u32 s1, $0x11  }
0x33: {  	s0 =	sor.u32 s1, s0  }
0x34: {  	s0 =	sadd.s32 $0x8F2B, s0  }
0x35: {  	[sflag:s0] =	ssyncadd.remote.s32 $0x1  }
0x36: {  	_ =	sfence.sel $0xFFFF  }
0x37: {  	[dreg:$0x0] =	wrdreg $0xFFFFFFFF;
	(pc) =	sbr.abs _section_cstart, $3  }
0x38: {  	[dreg:$0x1] =	wrdreg $0xFFFFFFFF  }
0x39: {  	_ =	task.clear_ibuf [dreg:s7], $0x2FFFF;
	_ =	strace $0x9FFFFFFF  }
0x3a: {  	(tm) =	ssettm $0x7FFFFFFF  }
0x3b: {  	_ =	shalt  }
tec
execute0_lowered:
.L_overlay_start_1:
0x0: {  	(tag) =	ssettag $0x1  }
0x1: {  	s4 =	rddreg [dreg:$0x0]  }
0x2: {  	s2 =	rddreg [dreg:$0x1]  }
0x3: {  	s0 =	rddreg [dreg:$0x2];
	_ =	strace $0x8000004A  }
0x4: {  	s3 =	srdreg.scid;
	s1 =	stileid.u32;
	s6 =	simm.s32 $0x2  }
.Ltmp0:
0x5: {  	s11 =	simm.s32 $0x0;
	p0 =	por $0x0, $0x0;
	(pc) =	sbr.rel .LBB1_1-.Ltmp0, $4  }
0x6: {  	s7 =	simm.s32 $0x80000;
	s9 =	simm.s32 $0x0;
	s5 =	sshll.u32 s3, $0x4  }
0x7: {  	s8 =	simm.s32 $0x0;
	s3 =	simm.s32 $0x1;
	s5 =	sand.u32 $0x10, s5  }
0x8: {  	s4 =	sadd.s32 $0x800, s4;
	[sflag:s3] =	ssyncpa.u1 $0x0;
	s5 =	sor.u32 s1, s5  }
0x9: {  	[sflag:s6] =	ssyncpa.u1 $0x0;
	s6 =	simm.s32 $0x80;
	s10 =	smov.u32 s5  }
.LBB1_5:
0xa: {  	p1 =	slt.u32 s8, $0x2  }
0xb: {  	p2 =	sgt.s32 @!p1 s11, $0xFFF  }
0xc: {  	s12 =	smov.u32 s11;
	s13 =	sshra.s32 @!p1 s11, $0x1F;
	p2 =	por !p2, p1  }
0xd: {  	s11 =	sand.u32 @!p1 s13, s11;
	s12 =	simm.s32 @p2 $0xFFF  }
0xe: {  	s11 =	ssub.s32 @!p1 s12, s11  }
0xf: {  	s12 =	ssub.s32 @!p1 $0x1000, s11  }
0x10: {  	s11 =	sadd.s32 @!p1 $0xFFFFF001, s11;
	s12 =	smul.u32 @!p1 $0xEE00, s12  }
0x11: {  	p2 =	sgt.s32 @!p1 s11, $0x0  }
0x12: {  	s13 =	sadd.s32 $0x20, s10;
	p2 =	por !p2, p1;
	s11 =	sshrl.u32 @!p1 s12, $0x2  }
0x13: {  	s8 =	sadd.s32 $0x1, s8;
	s11 =	simm.s32 @!p2 $0x0;
	p2 =	sgt.s32 s13, $0xFFF  }
0x14: {  	s13 =	smov.u32 @p2 s5;
	p2 =	sne.s32 s8, $0x82  }
.Ltmp1:
0x15: {  	_ = 	snop;
	(pc) =	sbr.rel @!p2 .LBB1_6-.Ltmp1, $4  }
0x16: {  	s12 =	simm.s32 @!p1 $0x2  }
0x17: {  	p0 =	por !p0, !p0;
	_ =	swait.ge @!p1 [sflag:s12], s11  }
0x18: {  	s14 =	ssub.s32 @!p1 $0x0, s11;
	s11 =	smov.u32 s9;
	[sflag:s12] =	ssyncset.done @!p1 $0x0  }
0x19: {  	s9 =	smov.u32 s10;
	s10 =	smov.u32 s13;
	[sflag:s12] =	ssyncadd.s32 @!p1 s14  }
.LBB1_1:
0x1a: {  	p1 =	sgt.u32 s8, $0x7F  }
0x1b: {  	s12 =	sxor.u32 @!p1 $0xFFFFFFFF, s8  }
0x1c: {  	s13 =	sshll.u32 @!p1 s10, $0xB;
	s12 =	sshll.u32 @!p1 s12, $0xE  }
0x1d: {  	s14 =	simm.s32 @!p1 $0x0;
	s13 =	sadd.s32 @!p1 s4, s13;
	s12 =	sand.u32 @!p1 $0x4000, s12  }
0x1e: {  	[tilespmem:s12], [sflag:$0x1] =	stream.linear.gather @!p1 [hbm4b:s13+s14], $0x4000, $0x38;
	[tilespmem:$0x10100] =	vst v63  }
0x1f: {  	p1 =	seq.s32 s8, $0x0  }
0x20: {  	p2 =	seq.s32 @!p1 s8, $0x81  }
0x21: {  	p1 =	por p1, p2  }
.Ltmp2:
0x22: {  	_ = 	snop;
	(pc) =	sbr.rel @p1 .LBB1_5-.Ltmp2, $1  }
0x23: {  	_ =	sdelay $0x3  }
0x24: {  	s12 =	simm.s32 $0x1  }
0x25: {  	_ =	swait.ge [sflag:s3], $0x4000;
	s12 =	simm.s32 @!p0 $0x0  }
0x26: {  	[sflag:s3] =	ssyncset.done $0x0;
	s13 =	sshll.u32 s12, $0xE  }
0x27: {  	[sflag:s3] =	ssyncadd.s32 $0xFFFFC000;
	s14 =	sor.u32 $0x40, s13  }
0x28: {  	s12 =	smul.u32 $0x10200, s12;
	v0 =	vld [tilespmem:s14+$0x30]  }
0x29: {  	v3 =	vld [tilespmem:s14+$0xFFFFFFD0]  }
0x2a: {  	s12 =	sshrl.u32 s12, $0x2;
	v4 =	vld [tilespmem:s14+$0xFFFFFFE0]  }
0x2b: {  	v5 =	vld [tilespmem:s14+$0xFFFFFFF0];
	s13 =	sor.u32 $0x8000, s12  }
0x2c: {  	s31 =	sand.u32 $0x1, s8;
	v1 =	vld [tilespmem:s14+$0x0];
	s15 =	sadd.s32 $0x0, s13  }
0x2d: {  	v2 =	vld [tilespmem:s14+$0x10];
	s12 =	smul.u32 $0x10200, s31;
	[tilespmem:s15+$0x3870 ss:$0x81] =	vst.msk $0xffff, v0  }
0x2e: {  	[tilespmem:s15+$0x810 ss:$0x81] =	vst.msk $0xffff, v3;
	v3 =	vld [tilespmem:s14+$0x20]  }
0x2f: {  	s12 =	sshrl.u32 s12, $0x2;
	v0 =	vld [tilespmem:s14+$0xFFFFFFC0];
	[tilespmem:s15+$0x1020 ss:$0x81] =	vst.msk $0xffff, v4;
	s14 =	sadd.s32 $0x80, s14  }
0x30: {  	s16 =	simm.s32 $0x4;
	s17 =	simm.s32 $0x8;
	s12 =	sor.u32 $0x8000, s12;
	[tilespmem:s15+$0x1830 ss:$0x81] =	vst.msk $0xffff, v5;
	v4 =	vld [tilespmem:s14+$0x30]  }
.LBB1_3:
0x31: {  	p1 =	sne.s32 s17, $0x1FC;
	v5 =	vld [tilespmem:s14+$0xFFFFFFD0];
	[tilespmem:s15+$0x2040 ss:$0x81] =	vst.msk $0xffff, v1  }
0x32: {  	v6 =	vld [tilespmem:s14+$0xFFFFFFE0];
	[tilespmem:s15+$0x2850 ss:$0x81] =	vst.msk $0xffff, v2  }
0x33: {  	s18 =	sshra.s32 s16, $0x2;
	s16 =	smov.u32 s17;
	v7 =	vld [tilespmem:s14+$0xFFFFFFF0];
	[tilespmem:s15+$0x3060 ss:$0x81] =	vst.msk $0xffff, v3  }
.Ltmp3:
0x34: {  	v1 =	vld [tilespmem:s14+$0x0];
	[tilespmem:s15+$0x0 ss:$0x81] =	vst.msk $0xffff, v0;
	s15 =	sadd.s32 s18, s13;
	(pc) =	sbr.rel @p1 .LBB1_3-.Ltmp3, $4  }
0x35: {  	v2 =	vld [tilespmem:s14+$0x10];
	[tilespmem:s15+$0x3870 ss:$0x81] =	vst.msk $0xffff, v4  }
0x36: {  	[tilespmem:s15+$0x810 ss:$0x81] =	vst.msk $0xffff, v5;
	v3 =	vld [tilespmem:s14+$0x20]  }
0x37: {  	v0 =	vld [tilespmem:s14+$0xFFFFFFC0];
	[tilespmem:s15+$0x1020 ss:$0x81] =	vst.msk $0xffff, v6;
	s14 =	sadd.s32 $0x80, s14  }
0x38: {  	s17 =	sadd.s32 $0x4, s17;
	v4 =	vld [tilespmem:s14+$0x30];
	[tilespmem:s15+$0x1830 ss:$0x81] =	vst.msk $0xffff, v7  }
0x39: {  	v5 =	vld [tilespmem:s14+$0xFFFFFFD0];
	[tilespmem:s15+$0x2040 ss:$0x81] =	vst.msk $0xffff, v1  }
0x3a: {  	v58 =	vld [tilespmem:s14+$0xFFFFFFE0];
	[tilespmem:s15+$0x2850 ss:$0x81] =	vst.msk $0xffff, v2  }
0x3b: {  	s16 =	sshra.s32 s16, $0x2;
	v59 =	vld [tilespmem:s14+$0xFFFFFFF0];
	p1 =	sgt.s32 s9, $0xFFF;
	[tilespmem:s15+$0x3060 ss:$0x81] =	vst.msk $0xffff, v3  }
0x3c: {  	v60 =	vld [tilespmem:s14+$0x0];
	s27 =	sshra.s32 s9, $0x1F;
	s13 =	sadd.s32 s16, s13;
	[tilespmem:s15+$0x0 ss:$0x81] =	vst.msk $0xffff, v0;
	s15 =	smov.u32 s9  }
0x3d: {  	v61 =	vld [tilespmem:s14+$0x10];
	s16 =	sand.u32 s27, s9;
	[tilespmem:s13+$0x3870 ss:$0x81] =	vst.msk $0xffff, v4;
	s15 =	simm.s32 @!p1 $0xFFF  }
0x3e: {  	v62 =	vld [tilespmem:s14+$0x20];
	[tilespmem:s13+$0x810 ss:$0x81] =	vst.msk $0xffff, v5;
	s28 =	ssub.s32 s15, s16  }
0x3f: {  	v63 =	vld [tilespmem:s14+$0xFFFFFFC0];
	[tilespmem:s13+$0x1020 ss:$0x81] =	vst.msk $0xffff, v58;
	s15 =	ssub.s32 $0x1000, s28  }
0x40: {  	[tilespmem:s13+$0x1830 ss:$0x81] =	vst.msk $0xffff, v59;
	s15 =	smul.u32 $0xEE00, s15  }
.Ltmp4:
0x41: {  	[tilespmem:s13+$0x2040 ss:$0x81] =	vst.msk $0xffff, v60;
	(pc) =	sbr.rel .LBB1_5-.Ltmp4, $4  }
0x42: {  	s29 =	sshll.u32 s9, $0x4;
	[tilespmem:s13+$0x2850 ss:$0x81] =	vst.msk $0xffff, v61;
	s14 =	sadd.s32 $0xFFFFF001, s28  }
0x43: {  	s30 =	sand.u32 $0xFFF0, s29;
	[tilespmem:s13+$0x3060 ss:$0x81] =	vst.msk $0xffff, v62;
	p1 =	sgt.s32 s14, $0x0;
	s14 =	sshrl.u32 s15, $0x2  }
0x44: {  	s31 =	sadd.s32 s2, s30;
	[tilespmem:s13+$0x0 ss:$0x81] =	vst.msk $0xffff, v63;
	s14 =	simm.s32 @p1 $0x0  }
0x45: {  	[hbm4b:s31+s6] =	stream.strided.scatter [tilespmem:s12], [sflag:$0x2], s14, s7, s6, $0x20;
	[tilespmem:$0x10100] =	vst v63  }
.LBB1_6:
0x46: {  	_ =	sfence.sel $0x180000  }
0x47: {  	s2 =	simm.s32 $0x1;
	[bflag:$0x0] =	sbarrier.arrive $0xFFFF  }
0x48: {  	s31 =	simm.s32 $0x2;
	[sflag:s2] =	ssyncpa.u1 $0x1  }
0x49: {  	[sflag:s31] =	ssyncpa.u1 $0x1  }
0x4a: {  	p0 =	sne.s32 s1, $0x0;
	_ =	strace $0x9000004A  }
0x4b: {  	s0 =	sadd.s32 @!p0 $0x100000, s0;
	[bflag:$0x2] =	sbarrier.arrive $0xFFFF  }
0x4c: {  	[sflag:s0] =	ssyncadd.tile.s32 @!p0 $0x1;
	_ =	shalt  }
.Lfunc_end1:
_tile_overlayer_lowered:
.L_overlay_start_2:
0x4d: {  	(tag) =	ssettag $0x2  }
0x4e: {  	s0 =	rddreg [dreg:$0x0];
	s2 =	stileid.u32  }
0x4f: {  	s1 =	rddreg [dreg:$0x1];
	p0 =	sne.s32 s2, $0x0  }
0x50: {  	s3 =	rddreg [dreg:$0x2];
	[bflag:$0x3] =	sbarrier.arrive $0xFFFF;
	s2 =	simm.s32 @!p0 $0x1C01  }
0x51: {  	[timem:s3], [sflag:s2] =	dma.local @!p0 [hbm:s0], s1  }
0x52: {  	s0 =	simm.s32 @!p0 $0x1  }
0x53: {  	_ =	swait.ge @!p0 [sflag:s0], s1  }
0x54: {  	s1 =	ssub.s32 @!p0 $0x0, s1;
	[sflag:s0] =	ssyncset.done @!p0 $0x0  }
0x55: {  	[sflag:s0] =	ssyncadd.s32 @!p0 s1  }
0x56: {  	[bflag:$0x3] =	sbarrier.arrive $0xFFFF  }
0x57: {  	_ =	shalt  }

</sc_bundles>
